<compile_context>
chip_gen: v7x
topology: tpu7x:2x2x1
jax: 0.10.2.dev20260603
libtpu: 0.0.44.dev20260713+nightly
codegen_flags: <defaults>
</compile_context>

<pallas_src>
import functools

import jax
import jax.numpy as jnp
from jax import lax
from jax.experimental import pallas as pl
from jax.experimental.pallas import tpu as pltpu
from jax.experimental.pallas import tpu_sc as plsc

NS = 26
NFA = 13
NFB = NS - NFA
ND = 13
B = 16384
V = 100000
VPAD = 100352
NC = 2
NSUB = 16
NW = NC * NSUB
BPW = B // NW
CHUNKS = BPW // 16

_mesh = plsc.VectorSubcoreMesh(core_axis_name="c", subcore_axis_name="s")


def _phase_body(nf, with_dense, args):
    it = iter(args)
    if with_dense:
        wd_hbm = next(it)
    idx_hbms = [next(it) for _ in range(nf)]
    if with_dense:
        extra_hbms = [next(it) for _ in range(ND)]
    else:
        extra_hbms = [next(it)]
    table_hbm = next(it)
    out_hbm = next(it)
    rest = list(it)

    nextra = ND if with_dense else 1
    idx_vs = rest[:nf]
    gath_vs = rest[nf:2 * nf]
    extra_vs = rest[2 * nf:2 * nf + nextra]
    wd_v, acc_v, sem_in, sem_g = rest[2 * nf + nextra:]

    wid = lax.axis_index("s") * NC + lax.axis_index("c")
    base = wid * BPW

    copies = []
    if with_dense:
        copies.append(pltpu.async_copy(wd_hbm, wd_v, sem_in))
    for i in range(nf):
        copies.append(
            pltpu.async_copy(idx_hbms[i].at[pl.ds(base, BPW)], idx_vs[i], sem_in)
        )
    for d in range(nextra):
        copies.append(
            pltpu.async_copy(extra_hbms[d].at[pl.ds(base, BPW)], extra_vs[d], sem_in)
        )
    for c in copies:
        c.wait()

    gathers = []
    for i in range(nf):
        gathers.append(
            pltpu.async_copy(
                table_hbm.at[pl.ds(i * VPAD, VPAD)].at[idx_vs[i]],
                gath_vs[i],
                sem_g,
            )
        )
    for c in gathers:
        c.wait()

    def chunk_body(c, _):
        o = c * 16
        acc = gath_vs[0][pl.ds(o, 16)]
        for i in range(1, nf):
            acc = acc + gath_vs[i][pl.ds(o, 16)]
        if with_dense:
            for d in range(ND):
                acc = acc + extra_vs[d][pl.ds(o, 16)] * wd_v[d, :]
        else:
            acc = acc + extra_vs[0][pl.ds(o, 16)]
        acc_v[pl.ds(o, 16)] = acc
        return _

    lax.fori_loop(0, CHUNKS, chunk_body, None)

    pltpu.sync_copy(acc_v, out_hbm.at[pl.ds(base, BPW)])


def _make_phase(nf, with_dense):
    nextra = ND if with_dense else 1
    scratch = (
        [pltpu.VMEM((BPW,), jnp.int32) for _ in range(nf)]
        + [pltpu.VMEM((BPW,), jnp.float32) for _ in range(nf)]
        + [pltpu.VMEM((BPW,), jnp.float32) for _ in range(nextra)]
        + [
            pltpu.VMEM((ND, 16), jnp.float32),
            pltpu.VMEM((BPW,), jnp.float32),
            pltpu.SemaphoreType.DMA,
            pltpu.SemaphoreType.DMA,
        ]
    )

    @functools.partial(
        pl.kernel,
        mesh=_mesh,
        out_type=jax.ShapeDtypeStruct((B,), jnp.float32),
        scratch_types=scratch,
    )
    def phase(*args):
        _phase_body(nf, with_dense, args)

    return phase


_phase_a = _make_phase(NFA, True)
_phase_b = _make_phase(NFB, False)


def kernel(sparse_0, sparse_1, sparse_2, sparse_3, sparse_4, sparse_5, sparse_6, sparse_7, sparse_8, sparse_9, sparse_10, sparse_11, sparse_12, sparse_13, sparse_14, sparse_15, sparse_16, sparse_17, sparse_18, sparse_19, sparse_20, sparse_21, sparse_22, sparse_23, sparse_24, sparse_25, dense_0, dense_1, dense_2, dense_3, dense_4, dense_5, dense_6, dense_7, dense_8, dense_9, dense_10, dense_11, dense_12, W_0, W_1, W_2, W_3, W_4, W_5, W_6, W_7, W_8, W_9, W_10, W_11, W_12, W_13, W_14, W_15, W_16, W_17, W_18, W_19, W_20, W_21, W_22, W_23, W_24, W_25, Wd):
    sparse = [sparse_0, sparse_1, sparse_2, sparse_3, sparse_4, sparse_5,
              sparse_6, sparse_7, sparse_8, sparse_9, sparse_10, sparse_11,
              sparse_12, sparse_13, sparse_14, sparse_15, sparse_16,
              sparse_17, sparse_18, sparse_19, sparse_20, sparse_21,
              sparse_22, sparse_23, sparse_24, sparse_25]
    dense = [dense_0, dense_1, dense_2, dense_3, dense_4, dense_5, dense_6,
             dense_7, dense_8, dense_9, dense_10, dense_11, dense_12]
    tables = [W_0, W_1, W_2, W_3, W_4, W_5, W_6, W_7, W_8, W_9, W_10, W_11,
              W_12, W_13, W_14, W_15, W_16, W_17, W_18, W_19, W_20, W_21,
              W_22, W_23, W_24, W_25]

    idx1 = [s.reshape(B) for s in sparse]
    dense1 = [d.reshape(B) for d in dense]
    wd16 = jnp.broadcast_to(Wd, (ND, 16))
    flat_tables = [
        jnp.pad(w, ((0, VPAD - V), (0, 0))).reshape(VPAD) for w in tables
    ]
    table_a = jnp.concatenate(flat_tables[:NFA])
    table_b = jnp.concatenate(flat_tables[NFA:])

    part = _phase_a(wd16, *idx1[:NFA], *dense1, table_a)
    out = _phase_b(*idx1[NFA:], part, table_b)
    return out.reshape(B, 1)

# --- scband reference (transcript-rebuilt; emitter-appended) ---
"""Pipeline reference for scband-one-order-89275190214979 (READ-ONLY COPY).

The authoritative reference and input builder live on the scoring server;
editing this copy changes nothing except your own understanding.
"""

import jax, jax.numpy as jnp
import numpy as np

NS = 26
ND = 13
B = 16384
V = 100000

def setup_inputs(seed: int = 0) -> dict:
    key = jax.random.key(seed)
    inp = {}
    for i in range(NS):
        inp[f"sparse_{i}"] = jax.random.randint(jax.random.fold_in(key, i), (B, 1), 0, V, dtype=jnp.int64 if jax.config.jax_enable_x64 else jnp.int32).astype(jnp.int32)
    for i in range(ND):
        inp[f"dense_{i}"] = jax.random.normal(jax.random.fold_in(key, 100 + i), (B, 1), dtype=jnp.float32)
    # learned parameters sized per init_kwargs (glorot-like small init)
    for i in range(NS):
        inp[f"W_{i}"] = jax.random.normal(jax.random.fold_in(key, 200 + i), (V, 1), dtype=jnp.float32) * 0.01
    inp["Wd"] = jax.random.normal(jax.random.fold_in(key, 300), (ND, 1), dtype=jnp.float32) * 0.01
    return inp

def reference(
    sparse_0, sparse_1, sparse_2, sparse_3, sparse_4, sparse_5, sparse_6,
    sparse_7, sparse_8, sparse_9, sparse_10, sparse_11, sparse_12, sparse_13,
    sparse_14, sparse_15, sparse_16, sparse_17, sparse_18, sparse_19,
    sparse_20, sparse_21, sparse_22, sparse_23, sparse_24, sparse_25,
    dense_0, dense_1, dense_2, dense_3, dense_4, dense_5, dense_6,
    dense_7, dense_8, dense_9, dense_10, dense_11, dense_12,
    W_0, W_1, W_2, W_3, W_4, W_5, W_6, W_7, W_8, W_9, W_10, W_11, W_12,
    W_13, W_14, W_15, W_16, W_17, W_18, W_19, W_20, W_21, W_22, W_23,
    W_24, W_25,
    Wd,
):
    kw = dict(locals())
    # outputs = sum_i gather(W_i, sparse_i)[:, 0, :]  +  concat(dense) @ Wd
    out = jnp.zeros((B, 1), dtype=jnp.float32)
    for i in range(NS):
        w = kw[f"W_{i}"]
        idx = kw[f"sparse_{i}"]
        g = jnp.take(w, idx, axis=0)  # [B, 1, 1], matches K.gather
        out = out + g[:, 0, :]
    dense = jnp.concatenate([kw[f"dense_{i}"] for i in range(ND)], axis=1)  # [B, ND]
    out = out + dense @ kw["Wd"]
    return out

if __name__ == "__main__":
    import jax
    _d = setup_inputs()
    print(jax.jit(kernel)(*tuple(_d.values())))

</pallas_src>

<mosaic_0001>
#map = affine_map<(d0, d1) -> (0)>
module attributes {stable_mosaic.version = 14 : i64} {
  func.func @phase(%arg0: i32, %arg1: i32, %arg2: memref<16384xi32, #tpu.memory_space<hbm>>, %arg3: memref<16384xi32, #tpu.memory_space<hbm>>, %arg4: memref<16384xi32, #tpu.memory_space<hbm>>, %arg5: memref<16384xi32, #tpu.memory_space<hbm>>, %arg6: memref<16384xi32, #tpu.memory_space<hbm>>, %arg7: memref<16384xi32, #tpu.memory_space<hbm>>, %arg8: memref<16384xi32, #tpu.memory_space<hbm>>, %arg9: memref<16384xi32, #tpu.memory_space<hbm>>, %arg10: memref<16384xi32, #tpu.memory_space<hbm>>, %arg11: memref<16384xi32, #tpu.memory_space<hbm>>, %arg12: memref<16384xi32, #tpu.memory_space<hbm>>, %arg13: memref<16384xi32, #tpu.memory_space<hbm>>, %arg14: memref<16384xi32, #tpu.memory_space<hbm>>, %arg15: memref<16384xf32, #tpu.memory_space<hbm>>, %arg16: memref<1304576xf32, #tpu.memory_space<hbm>>, %arg17: memref<16384xf32, #tpu.memory_space<hbm>>, %arg18: memref<512xi32, #tpu.memory_space<vmem>>, %arg19: memref<512xi32, #tpu.memory_space<vmem>>, %arg20: memref<512xi32, #tpu.memory_space<vmem>>, %arg21: memref<512xi32, #tpu.memory_space<vmem>>, %arg22: memref<512xi32, #tpu.memory_space<vmem>>, %arg23: memref<512xi32, #tpu.memory_space<vmem>>, %arg24: memref<512xi32, #tpu.memory_space<vmem>>, %arg25: memref<512xi32, #tpu.memory_space<vmem>>, %arg26: memref<512xi32, #tpu.memory_space<vmem>>, %arg27: memref<512xi32, #tpu.memory_space<vmem>>, %arg28: memref<512xi32, #tpu.memory_space<vmem>>, %arg29: memref<512xi32, #tpu.memory_space<vmem>>, %arg30: memref<512xi32, #tpu.memory_space<vmem>>, %arg31: memref<512xf32, #tpu.memory_space<vmem>>, %arg32: memref<512xf32, #tpu.memory_space<vmem>>, %arg33: memref<512xf32, #tpu.memory_space<vmem>>, %arg34: memref<512xf32, #tpu.memory_space<vmem>>, %arg35: memref<512xf32, #tpu.memory_space<vmem>>, %arg36: memref<512xf32, #tpu.memory_space<vmem>>, %arg37: memref<512xf32, #tpu.memory_space<vmem>>, %arg38: memref<512xf32, #tpu.memory_space<vmem>>, %arg39: memref<512xf32, #tpu.memory_space<vmem>>, %arg40: memref<512xf32, #tpu.memory_space<vmem>>, %arg41: memref<512xf32, #tpu.memory_space<vmem>>, %arg42: memref<512xf32, #tpu.memory_space<vmem>>, %arg43: memref<512xf32, #tpu.memory_space<vmem>>, %arg44: memref<512xf32, #tpu.memory_space<vmem>>, %arg45: memref<13x16xf32, #tpu.memory_space<vmem>>, %arg46: memref<512xf32, #tpu.memory_space<vmem>>, %arg47: memref<!tpu.dma_semaphore, #tpu.memory_space<semaphore_mem>>, %arg48: memref<!tpu.dma_semaphore, #tpu.memory_space<semaphore_mem>>) attributes {dimension_semantics = [#tpu.dimension_semantics<core_parallel>, #tpu.dimension_semantics<subcore_parallel>], iteration_bounds = array<i64: 2, 16>, scalar_prefetch = 0 : i64, scratch_operands = 31 : i64, tpu.core_type = #tpu.core_type<sc_vector_subcore>, window_params = [{transform_indices = #map}, {transform_indices = #map}, {transform_indices = #map}, {transform_indices = #map}, {transform_indices = #map}, {transform_indices = #map}, {transform_indices = #map}, {transform_indices = #map}, {transform_indices = #map}, {transform_indices = #map}, {transform_indices = #map}, {transform_indices = #map}, {transform_indices = #map}, {transform_indices = #map}, {transform_indices = #map}, {transform_indices = #map}]} {
    %mul3A = arith.constant 2 : i32
    %mul3A_0 = arith.muli %arg1, %mul3A : i32
    %add3A = arith.addi %mul3A_0, %arg0 : i32
    %mul3A_1 = arith.constant 512 : i32
    %mul3A_2 = arith.muli %add3A, %mul3A_1 : i32
    %dma_start3A = tpu.memref_slice %arg2[%mul3A_2] : memref<16384xi32, #tpu.memory_space<hbm>> -> memref<512xi32, #tpu.memory_space<hbm>>
    %dma_start3A_3 = tpu.memref_slice %arg2[%mul3A_2] : memref<16384xi32, #tpu.memory_space<hbm>> -> memref<512xi32, #tpu.memory_space<hbm>>
    tpu.enqueue_dma source(%dma_start3A_3 : memref<512xi32, #tpu.memory_space<hbm>>) target(%arg18 : memref<512xi32, #tpu.memory_space<vmem>>) target_semaphore(%arg47 : memref<!tpu.dma_semaphore, #tpu.memory_space<semaphore_mem>>)
    %dma_start3A_4 = tpu.memref_slice %arg3[%mul3A_2] : memref<16384xi32, #tpu.memory_space<hbm>> -> memref<512xi32, #tpu.memory_space<hbm>>
    %dma_start3A_5 = tpu.memref_slice %arg3[%mul3A_2] : memref<16384xi32, #tpu.memory_space<hbm>> -> memref<512xi32, #tpu.memory_space<hbm>>
    tpu.enqueue_dma source(%dma_start3A_5 : memref<512xi32, #tpu.memory_space<hbm>>) target(%arg19 : memref<512xi32, #tpu.memory_space<vmem>>) target_semaphore(%arg47 : memref<!tpu.dma_semaphore, #tpu.memory_space<semaphore_mem>>)
    %dma_start3A_6 = tpu.memref_slice %arg4[%mul3A_2] : memref<16384xi32, #tpu.memory_space<hbm>> -> memref<512xi32, #tpu.memory_space<hbm>>
    %dma_start3A_7 = tpu.memref_slice %arg4[%mul3A_2] : memref<16384xi32, #tpu.memory_space<hbm>> -> memref<512xi32, #tpu.memory_space<hbm>>
    tpu.enqueue_dma source(%dma_start3A_7 : memref<512xi32, #tpu.memory_space<hbm>>) target(%arg20 : memref<512xi32, #tpu.memory_space<vmem>>) target_semaphore(%arg47 : memref<!tpu.dma_semaphore, #tpu.memory_space<semaphore_mem>>)
    %dma_start3A_8 = tpu.memref_slice %arg5[%mul3A_2] : memref<16384xi32, #tpu.memory_space<hbm>> -> memref<512xi32, #tpu.memory_space<hbm>>
    %dma_start3A_9 = tpu.memref_slice %arg5[%mul3A_2] : memref<16384xi32, #tpu.memory_space<hbm>> -> memref<512xi32, #tpu.memory_space<hbm>>
    tpu.enqueue_dma source(%dma_start3A_9 : memref<512xi32, #tpu.memory_space<hbm>>) target(%arg21 : memref<512xi32, #tpu.memory_space<vmem>>) target_semaphore(%arg47 : memref<!tpu.dma_semaphore, #tpu.memory_space<semaphore_mem>>)
    %dma_start3A_10 = tpu.memref_slice %arg6[%mul3A_2] : memref<16384xi32, #tpu.memory_space<hbm>> -> memref<512xi32, #tpu.memory_space<hbm>>
    %dma_start3A_11 = tpu.memref_slice %arg6[%mul3A_2] : memref<16384xi32, #tpu.memory_space<hbm>> -> memref<512xi32, #tpu.memory_space<hbm>>
    tpu.enqueue_dma source(%dma_start3A_11 : memref<512xi32, #tpu.memory_space<hbm>>) target(%arg22 : memref<512xi32, #tpu.memory_space<vmem>>) target_semaphore(%arg47 : memref<!tpu.dma_semaphore, #tpu.memory_space<semaphore_mem>>)
    %dma_start3A_12 = tpu.memref_slice %arg7[%mul3A_2] : memref<16384xi32, #tpu.memory_space<hbm>> -> memref<512xi32, #tpu.memory_space<hbm>>
    %dma_start3A_13 = tpu.memref_slice %arg7[%mul3A_2] : memref<16384xi32, #tpu.memory_space<hbm>> -> memref<512xi32, #tpu.memory_space<hbm>>
    tpu.enqueue_dma source(%dma_start3A_13 : memref<512xi32, #tpu.memory_space<hbm>>) target(%arg23 : memref<512xi32, #tpu.memory_space<vmem>>) target_semaphore(%arg47 : memref<!tpu.dma_semaphore, #tpu.memory_space<semaphore_mem>>)
    %dma_start3A_14 = tpu.memref_slice %arg8[%mul3A_2] : memref<16384xi32, #tpu.memory_space<hbm>> -> memref<512xi32, #tpu.memory_space<hbm>>
    %dma_start3A_15 = tpu.memref_slice %arg8[%mul3A_2] : memref<16384xi32, #tpu.memory_space<hbm>> -> memref<512xi32, #tpu.memory_space<hbm>>
    tpu.enqueue_dma source(%dma_start3A_15 : memref<512xi32, #tpu.memory_space<hbm>>) target(%arg24 : memref<512xi32, #tpu.memory_space<vmem>>) target_semaphore(%arg47 : memref<!tpu.dma_semaphore, #tpu.memory_space<semaphore_mem>>)
    %dma_start3A_16 = tpu.memref_slice %arg9[%mul3A_2] : memref<16384xi32, #tpu.memory_space<hbm>> -> memref<512xi32, #tpu.memory_space<hbm>>
    %dma_start3A_17 = tpu.memref_slice %arg9[%mul3A_2] : memref<16384xi32, #tpu.memory_space<hbm>> -> memref<512xi32, #tpu.memory_space<hbm>>
    tpu.enqueue_dma source(%dma_start3A_17 : memref<512xi32, #tpu.memory_space<hbm>>) target(%arg25 : memref<512xi32, #tpu.memory_space<vmem>>) target_semaphore(%arg47 : memref<!tpu.dma_semaphore, #tpu.memory_space<semaphore_mem>>)
    %dma_start3A_18 = tpu.memref_slice %arg10[%mul3A_2] : memref<16384xi32, #tpu.memory_space<hbm>> -> memref<512xi32, #tpu.memory_space<hbm>>
    %dma_start3A_19 = tpu.memref_slice %arg10[%mul3A_2] : memref<16384xi32, #tpu.memory_space<hbm>> -> memref<512xi32, #tpu.memory_space<hbm>>
    tpu.enqueue_dma source(%dma_start3A_19 : memref<512xi32, #tpu.memory_space<hbm>>) target(%arg26 : memref<512xi32, #tpu.memory_space<vmem>>) target_semaphore(%arg47 : memref<!tpu.dma_semaphore, #tpu.memory_space<semaphore_mem>>)
    %dma_start3A_20 = tpu.memref_slice %arg11[%mul3A_2] : memref<16384xi32, #tpu.memory_space<hbm>> -> memref<512xi32, #tpu.memory_space<hbm>>
    %dma_start3A_21 = tpu.memref_slice %arg11[%mul3A_2] : memref<16384xi32, #tpu.memory_space<hbm>> -> memref<512xi32, #tpu.memory_space<hbm>>
    tpu.enqueue_dma source(%dma_start3A_21 : memref<512xi32, #tpu.memory_space<hbm>>) target(%arg27 : memref<512xi32, #tpu.memory_space<vmem>>) target_semaphore(%arg47 : memref<!tpu.dma_semaphore, #tpu.memory_space<semaphore_mem>>)
    %dma_start3A_22 = tpu.memref_slice %arg12[%mul3A_2] : memref<16384xi32, #tpu.memory_space<hbm>> -> memref<512xi32, #tpu.memory_space<hbm>>
    %dma_start3A_23 = tpu.memref_slice %arg12[%mul3A_2] : memref<16384xi32, #tpu.memory_space<hbm>> -> memref<512xi32, #tpu.memory_space<hbm>>
    tpu.enqueue_dma source(%dma_start3A_23 : memref<512xi32, #tpu.memory_space<hbm>>) target(%arg28 : memref<512xi32, #tpu.memory_space<vmem>>) target_semaphore(%arg47 : memref<!tpu.dma_semaphore, #tpu.memory_space<semaphore_mem>>)
    %dma_start3A_24 = tpu.memref_slice %arg13[%mul3A_2] : memref<16384xi32, #tpu.memory_space<hbm>> -> memref<512xi32, #tpu.memory_space<hbm>>
    %dma_start3A_25 = tpu.memref_slice %arg13[%mul3A_2] : memref<16384xi32, #tpu.memory_space<hbm>> -> memref<512xi32, #tpu.memory_space<hbm>>
    tpu.enqueue_dma source(%dma_start3A_25 : memref<512xi32, #tpu.memory_space<hbm>>) target(%arg29 : memref<512xi32, #tpu.memory_space<vmem>>) target_semaphore(%arg47 : memref<!tpu.dma_semaphore, #tpu.memory_space<semaphore_mem>>)
    %dma_start3A_26 = tpu.memref_slice %arg14[%mul3A_2] : memref<16384xi32, #tpu.memory_space<hbm>> -> memref<512xi32, #tpu.memory_space<hbm>>
    %dma_start3A_27 = tpu.memref_slice %arg14[%mul3A_2] : memref<16384xi32, #tpu.memory_space<hbm>> -> memref<512xi32, #tpu.memory_space<hbm>>
    tpu.enqueue_dma source(%dma_start3A_27 : memref<512xi32, #tpu.memory_space<hbm>>) target(%arg30 : memref<512xi32, #tpu.memory_space<vmem>>) target_semaphore(%arg47 : memref<!tpu.dma_semaphore, #tpu.memory_space<semaphore_mem>>)
    %dma_start3A_28 = tpu.memref_slice %arg15[%mul3A_2] : memref<16384xf32, #tpu.memory_space<hbm>> -> memref<512xf32, #tpu.memory_space<hbm>>
    %dma_start3A_29 = tpu.memref_slice %arg15[%mul3A_2] : memref<16384xf32, #tpu.memory_space<hbm>> -> memref<512xf32, #tpu.memory_space<hbm>>
    tpu.enqueue_dma source(%dma_start3A_29 : memref<512xf32, #tpu.memory_space<hbm>>) target(%arg44 : memref<512xf32, #tpu.memory_space<vmem>>) target_semaphore(%arg47 : memref<!tpu.dma_semaphore, #tpu.memory_space<semaphore_mem>>)
    %dma_wait3A = tpu.memref_slice %arg2[%mul3A_2] : memref<16384xi32, #tpu.memory_space<hbm>> -> memref<512xi32, #tpu.memory_space<hbm>>
    %dma_wait3A_30 = tpu.memref_slice %arg2[%mul3A_2] : memref<16384xi32, #tpu.memory_space<hbm>> -> memref<512xi32, #tpu.memory_space<hbm>>
    tpu.wait_dma2 semaphore(%arg47 : memref<!tpu.dma_semaphore, #tpu.memory_space<semaphore_mem>>) src(%dma_wait3A_30 : memref<512xi32, #tpu.memory_space<hbm>>) dst(%arg18 : memref<512xi32, #tpu.memory_space<vmem>>)
    %dma_wait3A_31 = tpu.memref_slice %arg3[%mul3A_2] : memref<16384xi32, #tpu.memory_space<hbm>> -> memref<512xi32, #tpu.memory_space<hbm>>
    %dma_wait3A_32 = tpu.memref_slice %arg3[%mul3A_2] : memref<16384xi32, #tpu.memory_space<hbm>> -> memref<512xi32, #tpu.memory_space<hbm>>
    tpu.wait_dma2 semaphore(%arg47 : memref<!tpu.dma_semaphore, #tpu.memory_space<semaphore_mem>>) src(%dma_wait3A_32 : memref<512xi32, #tpu.memory_space<hbm>>) dst(%arg19 : memref<512xi32, #tpu.memory_space<vmem>>)
    %dma_wait3A_33 = tpu.memref_slice %arg4[%mul3A_2] : memref<16384xi32, #tpu.memory_space<hbm>> -> memref<512xi32, #tpu.memory_space<hbm>>
    %dma_wait3A_34 = tpu.memref_slice %arg4[%mul3A_2] : memref<16384xi32, #tpu.memory_space<hbm>> -> memref<512xi32, #tpu.memory_space<hbm>>
    tpu.wait_dma2 semaphore(%arg47 : memref<!tpu.dma_semaphore, #tpu.memory_space<semaphore_mem>>) src(%dma_wait3A_34 : memref<512xi32, #tpu.memory_space<hbm>>) dst(%arg20 : memref<512xi32, #tpu.memory_space<vmem>>)
    %dma_wait3A_35 = tpu.memref_slice %arg5[%mul3A_2] : memref<16384xi32, #tpu.memory_space<hbm>> -> memref<512xi32, #tpu.memory_space<hbm>>
    %dma_wait3A_36 = tpu.memref_slice %arg5[%mul3A_2] : memref<16384xi32, #tpu.memory_space<hbm>> -> memref<512xi32, #tpu.memory_space<hbm>>
    tpu.wait_dma2 semaphore(%arg47 : memref<!tpu.dma_semaphore, #tpu.memory_space<semaphore_mem>>) src(%dma_wait3A_36 : memref<512xi32, #tpu.memory_space<hbm>>) dst(%arg21 : memref<512xi32, #tpu.memory_space<vmem>>)
    %dma_wait3A_37 = tpu.memref_slice %arg6[%mul3A_2] : memref<16384xi32, #tpu.memory_space<hbm>> -> memref<512xi32, #tpu.memory_space<hbm>>
    %dma_wait3A_38 = tpu.memref_slice %arg6[%mul3A_2] : memref<16384xi32, #tpu.memory_space<hbm>> -> memref<512xi32, #tpu.memory_space<hbm>>
    tpu.wait_dma2 semaphore(%arg47 : memref<!tpu.dma_semaphore, #tpu.memory_space<semaphore_mem>>) src(%dma_wait3A_38 : memref<512xi32, #tpu.memory_space<hbm>>) dst(%arg22 : memref<512xi32, #tpu.memory_space<vmem>>)
    %dma_wait3A_39 = tpu.memref_slice %arg7[%mul3A_2] : memref<16384xi32, #tpu.memory_space<hbm>> -> memref<512xi32, #tpu.memory_space<hbm>>
    %dma_wait3A_40 = tpu.memref_slice %arg7[%mul3A_2] : memref<16384xi32, #tpu.memory_space<hbm>> -> memref<512xi32, #tpu.memory_space<hbm>>
    tpu.wait_dma2 semaphore(%arg47 : memref<!tpu.dma_semaphore, #tpu.memory_space<semaphore_mem>>) src(%dma_wait3A_40 : memref<512xi32, #tpu.memory_space<hbm>>) dst(%arg23 : memref<512xi32, #tpu.memory_space<vmem>>)
    %dma_wait3A_41 = tpu.memref_slice %arg8[%mul3A_2] : memref<16384xi32, #tpu.memory_space<hbm>> -> memref<512xi32, #tpu.memory_space<hbm>>
    %dma_wait3A_42 = tpu.memref_slice %arg8[%mul3A_2] : memref<16384xi32, #tpu.memory_space<hbm>> -> memref<512xi32, #tpu.memory_space<hbm>>
    tpu.wait_dma2 semaphore(%arg47 : memref<!tpu.dma_semaphore, #tpu.memory_space<semaphore_mem>>) src(%dma_wait3A_42 : memref<512xi32, #tpu.memory_space<hbm>>) dst(%arg24 : memref<512xi32, #tpu.memory_space<vmem>>)
    %dma_wait3A_43 = tpu.memref_slice %arg9[%mul3A_2] : memref<16384xi32, #tpu.memory_space<hbm>> -> memref<512xi32, #tpu.memory_space<hbm>>
    %dma_wait3A_44 = tpu.memref_slice %arg9[%mul3A_2] : memref<16384xi32, #tpu.memory_space<hbm>> -> memref<512xi32, #tpu.memory_space<hbm>>
    tpu.wait_dma2 semaphore(%arg47 : memref<!tpu.dma_semaphore, #tpu.memory_space<semaphore_mem>>) src(%dma_wait3A_44 : memref<512xi32, #tpu.memory_space<hbm>>) dst(%arg25 : memref<512xi32, #tpu.memory_space<vmem>>)
    %dma_wait3A_45 = tpu.memref_slice %arg10[%mul3A_2] : memref<16384xi32, #tpu.memory_space<hbm>> -> memref<512xi32, #tpu.memory_space<hbm>>
    %dma_wait3A_46 = tpu.memref_slice %arg10[%mul3A_2] : memref<16384xi32, #tpu.memory_space<hbm>> -> memref<512xi32, #tpu.memory_space<hbm>>
    tpu.wait_dma2 semaphore(%arg47 : memref<!tpu.dma_semaphore, #tpu.memory_space<semaphore_mem>>) src(%dma_wait3A_46 : memref<512xi32, #tpu.memory_space<hbm>>) dst(%arg26 : memref<512xi32, #tpu.memory_space<vmem>>)
    %dma_wait3A_47 = tpu.memref_slice %arg11[%mul3A_2] : memref<16384xi32, #tpu.memory_space<hbm>> -> memref<512xi32, #tpu.memory_space<hbm>>
    %dma_wait3A_48 = tpu.memref_slice %arg11[%mul3A_2] : memref<16384xi32, #tpu.memory_space<hbm>> -> memref<512xi32, #tpu.memory_space<hbm>>
    tpu.wait_dma2 semaphore(%arg47 : memref<!tpu.dma_semaphore, #tpu.memory_space<semaphore_mem>>) src(%dma_wait3A_48 : memref<512xi32, #tpu.memory_space<hbm>>) dst(%arg27 : memref<512xi32, #tpu.memory_space<vmem>>)
    %dma_wait3A_49 = tpu.memref_slice %arg12[%mul3A_2] : memref<16384xi32, #tpu.memory_space<hbm>> -> memref<512xi32, #tpu.memory_space<hbm>>
    %dma_wait3A_50 = tpu.memref_slice %arg12[%mul3A_2] : memref<16384xi32, #tpu.memory_space<hbm>> -> memref<512xi32, #tpu.memory_space<hbm>>
    tpu.wait_dma2 semaphore(%arg47 : memref<!tpu.dma_semaphore, #tpu.memory_space<semaphore_mem>>) src(%dma_wait3A_50 : memref<512xi32, #tpu.memory_space<hbm>>) dst(%arg28 : memref<512xi32, #tpu.memory_space<vmem>>)
    %dma_wait3A_51 = tpu.memref_slice %arg13[%mul3A_2] : memref<16384xi32, #tpu.memory_space<hbm>> -> memref<512xi32, #tpu.memory_space<hbm>>
    %dma_wait3A_52 = tpu.memref_slice %arg13[%mul3A_2] : memref<16384xi32, #tpu.memory_space<hbm>> -> memref<512xi32, #tpu.memory_space<hbm>>
    tpu.wait_dma2 semaphore(%arg47 : memref<!tpu.dma_semaphore, #tpu.memory_space<semaphore_mem>>) src(%dma_wait3A_52 : memref<512xi32, #tpu.memory_space<hbm>>) dst(%arg29 : memref<512xi32, #tpu.memory_space<vmem>>)
    %dma_wait3A_53 = tpu.memref_slice %arg14[%mul3A_2] : memref<16384xi32, #tpu.memory_space<hbm>> -> memref<512xi32, #tpu.memory_space<hbm>>
    %dma_wait3A_54 = tpu.memref_slice %arg14[%mul3A_2] : memref<16384xi32, #tpu.memory_space<hbm>> -> memref<512xi32, #tpu.memory_space<hbm>>
    tpu.wait_dma2 semaphore(%arg47 : memref<!tpu.dma_semaphore, #tpu.memory_space<semaphore_mem>>) src(%dma_wait3A_54 : memref<512xi32, #tpu.memory_space<hbm>>) dst(%arg30 : memref<512xi32, #tpu.memory_space<vmem>>)
    %dma_wait3A_55 = tpu.memref_slice %arg15[%mul3A_2] : memref<16384xf32, #tpu.memory_space<hbm>> -> memref<512xf32, #tpu.memory_space<hbm>>
    %dma_wait3A_56 = tpu.memref_slice %arg15[%mul3A_2] : memref<16384xf32, #tpu.memory_space<hbm>> -> memref<512xf32, #tpu.memory_space<hbm>>
    tpu.wait_dma2 semaphore(%arg47 : memref<!tpu.dma_semaphore, #tpu.memory_space<semaphore_mem>>) src(%dma_wait3A_56 : memref<512xf32, #tpu.memory_space<hbm>>) dst(%arg44 : memref<512xf32, #tpu.memory_space<vmem>>)
    %dma_start3A_57 = arith.constant 0 : i32
    %dma_start3A_58 = tpu.memref_slice %arg16[%dma_start3A_57] : memref<1304576xf32, #tpu.memory_space<hbm>> -> memref<100352xf32, #tpu.memory_space<hbm>>
    %dma_start3A_59 = arith.constant 0 : i32
    %dma_start3A_60 = tpu.memref_slice %dma_start3A_58[%dma_start3A_59] : memref<100352xf32, #tpu.memory_space<hbm>> -> memref<100352xf32, #tpu.memory_space<hbm>>
    tpu.enqueue_indirect_dma source(%dma_start3A_60 : memref<100352xf32, #tpu.memory_space<hbm>>) target(%arg31 : memref<512xf32, #tpu.memory_space<vmem>>) offsets(%arg18 : memref<512xi32, #tpu.memory_space<vmem>>) semaphore(%arg48 : memref<!tpu.dma_semaphore, #tpu.memory_space<semaphore_mem>>)
    %dma_start3A_61 = arith.constant 100352 : i32
    %dma_start3A_62 = tpu.memref_slice %arg16[%dma_start3A_61] : memref<1304576xf32, #tpu.memory_space<hbm>> -> memref<100352xf32, #tpu.memory_space<hbm>>
    %dma_start3A_63 = arith.constant 0 : i32
    %dma_start3A_64 = tpu.memref_slice %dma_start3A_62[%dma_start3A_63] : memref<100352xf32, #tpu.memory_space<hbm>> -> memref<100352xf32, #tpu.memory_space<hbm>>
    tpu.enqueue_indirect_dma source(%dma_start3A_64 : memref<100352xf32, #tpu.memory_space<hbm>>) target(%arg32 : memref<512xf32, #tpu.memory_space<vmem>>) offsets(%arg19 : memref<512xi32, #tpu.memory_space<vmem>>) semaphore(%arg48 : memref<!tpu.dma_semaphore, #tpu.memory_space<semaphore_mem>>)
    %dma_start3A_65 = arith.constant 200704 : i32
    %dma_start3A_66 = tpu.memref_slice %arg16[%dma_start3A_65] : memref<1304576xf32, #tpu.memory_space<hbm>> -> memref<100352xf32, #tpu.memory_space<hbm>>
    %dma_start3A_67 = arith.constant 0 : i32
    %dma_start3A_68 = tpu.memref_slice %dma_start3A_66[%dma_start3A_67] : memref<100352xf32, #tpu.memory_space<hbm>> -> memref<100352xf32, #tpu.memory_space<hbm>>
    tpu.enqueue_indirect_dma source(%dma_start3A_68 : memref<100352xf32, #tpu.memory_space<hbm>>) target(%arg33 : memref<512xf32, #tpu.memory_space<vmem>>) offsets(%arg20 : memref<512xi32, #tpu.memory_space<vmem>>) semaphore(%arg48 : memref<!tpu.dma_semaphore, #tpu.memory_space<semaphore_mem>>)
    %dma_start3A_69 = arith.constant 301056 : i32
    %dma_start3A_70 = tpu.memref_slice %arg16[%dma_start3A_69] : memref<1304576xf32, #tpu.memory_space<hbm>> -> memref<100352xf32, #tpu.memory_space<hbm>>
    %dma_start3A_71 = arith.constant 0 : i32
    %dma_start3A_72 = tpu.memref_slice %dma_start3A_70[%dma_start3A_71] : memref<100352xf32, #tpu.memory_space<hbm>> -> memref<100352xf32, #tpu.memory_space<hbm>>
    tpu.enqueue_indirect_dma source(%dma_start3A_72 : memref<100352xf32, #tpu.memory_space<hbm>>) target(%arg34 : memref<512xf32, #tpu.memory_space<vmem>>) offsets(%arg21 : memref<512xi32, #tpu.memory_space<vmem>>) semaphore(%arg48 : memref<!tpu.dma_semaphore, #tpu.memory_space<semaphore_mem>>)
    %dma_start3A_73 = arith.constant 401408 : i32
    %dma_start3A_74 = tpu.memref_slice %arg16[%dma_start3A_73] : memref<1304576xf32, #tpu.memory_space<hbm>> -> memref<100352xf32, #tpu.memory_space<hbm>>
    %dma_start3A_75 = arith.constant 0 : i32
    %dma_start3A_76 = tpu.memref_slice %dma_start3A_74[%dma_start3A_75] : memref<100352xf32, #tpu.memory_space<hbm>> -> memref<100352xf32, #tpu.memory_space<hbm>>
    tpu.enqueue_indirect_dma source(%dma_start3A_76 : memref<100352xf32, #tpu.memory_space<hbm>>) target(%arg35 : memref<512xf32, #tpu.memory_space<vmem>>) offsets(%arg22 : memref<512xi32, #tpu.memory_space<vmem>>) semaphore(%arg48 : memref<!tpu.dma_semaphore, #tpu.memory_space<semaphore_mem>>)
    %dma_start3A_77 = arith.constant 501760 : i32
    %dma_start3A_78 = tpu.memref_slice %arg16[%dma_start3A_77] : memref<1304576xf32, #tpu.memory_space<hbm>> -> memref<100352xf32, #tpu.memory_space<hbm>>
    %dma_start3A_79 = arith.constant 0 : i32
    %dma_start3A_80 = tpu.memref_slice %dma_start3A_78[%dma_start3A_79] : memref<100352xf32, #tpu.memory_space<hbm>> -> memref<100352xf32, #tpu.memory_space<hbm>>
    tpu.enqueue_indirect_dma source(%dma_start3A_80 : memref<100352xf32, #tpu.memory_space<hbm>>) target(%arg36 : memref<512xf32, #tpu.memory_space<vmem>>) offsets(%arg23 : memref<512xi32, #tpu.memory_space<vmem>>) semaphore(%arg48 : memref<!tpu.dma_semaphore, #tpu.memory_space<semaphore_mem>>)
    %dma_start3A_81 = arith.constant 602112 : i32
    %dma_start3A_82 = tpu.memref_slice %arg16[%dma_start3A_81] : memref<1304576xf32, #tpu.memory_space<hbm>> -> memref<100352xf32, #tpu.memory_space<hbm>>
    %dma_start3A_83 = arith.constant 0 : i32
    %dma_start3A_84 = tpu.memref_slice %dma_start3A_82[%dma_start3A_83] : memref<100352xf32, #tpu.memory_space<hbm>> -> memref<100352xf32, #tpu.memory_space<hbm>>
    tpu.enqueue_indirect_dma source(%dma_start3A_84 : memref<100352xf32, #tpu.memory_space<hbm>>) target(%arg37 : memref<512xf32, #tpu.memory_space<vmem>>) offsets(%arg24 : memref<512xi32, #tpu.memory_space<vmem>>) semaphore(%arg48 : memref<!tpu.dma_semaphore, #tpu.memory_space<semaphore_mem>>)
    %dma_start3A_85 = arith.constant 702464 : i32
    %dma_start3A_86 = tpu.memref_slice %arg16[%dma_start3A_85] : memref<1304576xf32, #tpu.memory_space<hbm>> -> memref<100352xf32, #tpu.memory_space<hbm>>
    %dma_start3A_87 = arith.constant 0 : i32
    %dma_start3A_88 = tpu.memref_slice %dma_start3A_86[%dma_start3A_87] : memref<100352xf32, #tpu.memory_space<hbm>> -> memref<100352xf32, #tpu.memory_space<hbm>>
    tpu.enqueue_indirect_dma source(%dma_start3A_88 : memref<100352xf32, #tpu.memory_space<hbm>>) target(%arg38 : memref<512xf32, #tpu.memory_space<vmem>>) offsets(%arg25 : memref<512xi32, #tpu.memory_space<vmem>>) semaphore(%arg48 : memref<!tpu.dma_semaphore, #tpu.memory_space<semaphore_mem>>)
    %dma_start3A_89 = arith.constant 802816 : i32
    %dma_start3A_90 = tpu.memref_slice %arg16[%dma_start3A_89] : memref<1304576xf32, #tpu.memory_space<hbm>> -> memref<100352xf32, #tpu.memory_space<hbm>>
    %dma_start3A_91 = arith.constant 0 : i32
    %dma_start3A_92 = tpu.memref_slice %dma_start3A_90[%dma_start3A_91] : memref<100352xf32, #tpu.memory_space<hbm>> -> memref<100352xf32, #tpu.memory_space<hbm>>
    tpu.enqueue_indirect_dma source(%dma_start3A_92 : memref<100352xf32, #tpu.memory_space<hbm>>) target(%arg39 : memref<512xf32, #tpu.memory_space<vmem>>) offsets(%arg26 : memref<512xi32, #tpu.memory_space<vmem>>) semaphore(%arg48 : memref<!tpu.dma_semaphore, #tpu.memory_space<semaphore_mem>>)
    %dma_start3A_93 = arith.constant 903168 : i32
    %dma_start3A_94 = tpu.memref_slice %arg16[%dma_start3A_93] : memref<1304576xf32, #tpu.memory_space<hbm>> -> memref<100352xf32, #tpu.memory_space<hbm>>
    %dma_start3A_95 = arith.constant 0 : i32
    %dma_start3A_96 = tpu.memref_slice %dma_start3A_94[%dma_start3A_95] : memref<100352xf32, #tpu.memory_space<hbm>> -> memref<100352xf32, #tpu.memory_space<hbm>>
    tpu.enqueue_indirect_dma source(%dma_start3A_96 : memref<100352xf32, #tpu.memory_space<hbm>>) target(%arg40 : memref<512xf32, #tpu.memory_space<vmem>>) offsets(%arg27 : memref<512xi32, #tpu.memory_space<vmem>>) semaphore(%arg48 : memref<!tpu.dma_semaphore, #tpu.memory_space<semaphore_mem>>)
    %dma_start3A_97 = arith.constant 1003520 : i32
    %dma_start3A_98 = tpu.memref_slice %arg16[%dma_start3A_97] : memref<1304576xf32, #tpu.memory_space<hbm>> -> memref<100352xf32, #tpu.memory_space<hbm>>
    %dma_start3A_99 = arith.constant 0 : i32
    %dma_start3A_100 = tpu.memref_slice %dma_start3A_98[%dma_start3A_99] : memref<100352xf32, #tpu.memory_space<hbm>> -> memref<100352xf32, #tpu.memory_space<hbm>>
    tpu.enqueue_indirect_dma source(%dma_start3A_100 : memref<100352xf32, #tpu.memory_space<hbm>>) target(%arg41 : memref<512xf32, #tpu.memory_space<vmem>>) offsets(%arg28 : memref<512xi32, #tpu.memory_space<vmem>>) semaphore(%arg48 : memref<!tpu.dma_semaphore, #tpu.memory_space<semaphore_mem>>)
    %dma_start3A_101 = arith.constant 1103872 : i32
    %dma_start3A_102 = tpu.memref_slice %arg16[%dma_start3A_101] : memref<1304576xf32, #tpu.memory_space<hbm>> -> memref<100352xf32, #tpu.memory_space<hbm>>
    %dma_start3A_103 = arith.constant 0 : i32
    %dma_start3A_104 = tpu.memref_slice %dma_start3A_102[%dma_start3A_103] : memref<100352xf32, #tpu.memory_space<hbm>> -> memref<100352xf32, #tpu.memory_space<hbm>>
    tpu.enqueue_indirect_dma source(%dma_start3A_104 : memref<100352xf32, #tpu.memory_space<hbm>>) target(%arg42 : memref<512xf32, #tpu.memory_space<vmem>>) offsets(%arg29 : memref<512xi32, #tpu.memory_space<vmem>>) semaphore(%arg48 : memref<!tpu.dma_semaphore, #tpu.memory_space<semaphore_mem>>)
    %dma_start3A_105 = arith.constant 1204224 : i32
    %dma_start3A_106 = tpu.memref_slice %arg16[%dma_start3A_105] : memref<1304576xf32, #tpu.memory_space<hbm>> -> memref<100352xf32, #tpu.memory_space<hbm>>
    %dma_start3A_107 = arith.constant 0 : i32
    %dma_start3A_108 = tpu.memref_slice %dma_start3A_106[%dma_start3A_107] : memref<100352xf32, #tpu.memory_space<hbm>> -> memref<100352xf32, #tpu.memory_space<hbm>>
    tpu.enqueue_indirect_dma source(%dma_start3A_108 : memref<100352xf32, #tpu.memory_space<hbm>>) target(%arg43 : memref<512xf32, #tpu.memory_space<vmem>>) offsets(%arg30 : memref<512xi32, #tpu.memory_space<vmem>>) semaphore(%arg48 : memref<!tpu.dma_semaphore, #tpu.memory_space<semaphore_mem>>)
    %dma_wait3A_109 = arith.constant 0 : i32
    %dma_wait3A_110 = tpu.memref_slice %arg16[%dma_wait3A_109] : memref<1304576xf32, #tpu.memory_space<hbm>> -> memref<100352xf32, #tpu.memory_space<hbm>>
    %dma_wait3A_111 = arith.constant 0 : i32
    %dma_wait3A_112 = tpu.memref_slice %dma_wait3A_110[%dma_wait3A_111] : memref<100352xf32, #tpu.memory_space<hbm>> -> memref<100352xf32, #tpu.memory_space<hbm>>
    tpu.wait_indirect_dma semaphore(%arg48 : memref<!tpu.dma_semaphore, #tpu.memory_space<semaphore_mem>>) src(%dma_wait3A_112 : memref<100352xf32, #tpu.memory_space<hbm>>) dst(%arg31 : memref<512xf32, #tpu.memory_space<vmem>>)
    %dma_wait3A_113 = arith.constant 100352 : i32
    %dma_wait3A_114 = tpu.memref_slice %arg16[%dma_wait3A_113] : memref<1304576xf32, #tpu.memory_space<hbm>> -> memref<100352xf32, #tpu.memory_space<hbm>>
    %dma_wait3A_115 = arith.constant 0 : i32
    %dma_wait3A_116 = tpu.memref_slice %dma_wait3A_114[%dma_wait3A_115] : memref<100352xf32, #tpu.memory_space<hbm>> -> memref<100352xf32, #tpu.memory_space<hbm>>
    tpu.wait_indirect_dma semaphore(%arg48 : memref<!tpu.dma_semaphore, #tpu.memory_space<semaphore_mem>>) src(%dma_wait3A_116 : memref<100352xf32, #tpu.memory_space<hbm>>) dst(%arg32 : memref<512xf32, #tpu.memory_space<vmem>>)
    %dma_wait3A_117 = arith.constant 200704 : i32
    %dma_wait3A_118 = tpu.memref_slice %arg16[%dma_wait3A_117] : memref<1304576xf32, #tpu.memory_space<hbm>> -> memref<100352xf32, #tpu.memory_space<hbm>>
    %dma_wait3A_119 = arith.constant 0 : i32
    %dma_wait3A_120 = tpu.memref_slice %dma_wait3A_118[%dma_wait3A_119] : memref<100352xf32, #tpu.memory_space<hbm>> -> memref<100352xf32, #tpu.memory_space<hbm>>
    tpu.wait_indirect_dma semaphore(%arg48 : memref<!tpu.dma_semaphore, #tpu.memory_space<semaphore_mem>>) src(%dma_wait3A_120 : memref<100352xf32, #tpu.memory_space<hbm>>) dst(%arg33 : memref<512xf32, #tpu.memory_space<vmem>>)
    %dma_wait3A_121 = arith.constant 301056 : i32
    %dma_wait3A_122 = tpu.memref_slice %arg16[%dma_wait3A_121] : memref<1304576xf32, #tpu.memory_space<hbm>> -> memref<100352xf32, #tpu.memory_space<hbm>>
    %dma_wait3A_123 = arith.constant 0 : i32
    %dma_wait3A_124 = tpu.memref_slice %dma_wait3A_122[%dma_wait3A_123] : memref<100352xf32, #tpu.memory_space<hbm>> -> memref<100352xf32, #tpu.memory_space<hbm>>
    tpu.wait_indirect_dma semaphore(%arg48 : memref<!tpu.dma_semaphore, #tpu.memory_space<semaphore_mem>>) src(%dma_wait3A_124 : memref<100352xf32, #tpu.memory_space<hbm>>) dst(%arg34 : memref<512xf32, #tpu.memory_space<vmem>>)
    %dma_wait3A_125 = arith.constant 401408 : i32
    %dma_wait3A_126 = tpu.memref_slice %arg16[%dma_wait3A_125] : memref<1304576xf32, #tpu.memory_space<hbm>> -> memref<100352xf32, #tpu.memory_space<hbm>>
    %dma_wait3A_127 = arith.constant 0 : i32
    %dma_wait3A_128 = tpu.memref_slice %dma_wait3A_126[%dma_wait3A_127] : memref<100352xf32, #tpu.memory_space<hbm>> -> memref<100352xf32, #tpu.memory_space<hbm>>
    tpu.wait_indirect_dma semaphore(%arg48 : memref<!tpu.dma_semaphore, #tpu.memory_space<semaphore_mem>>) src(%dma_wait3A_128 : memref<100352xf32, #tpu.memory_space<hbm>>) dst(%arg35 : memref<512xf32, #tpu.memory_space<vmem>>)
    %dma_wait3A_129 = arith.constant 501760 : i32
    %dma_wait3A_130 = tpu.memref_slice %arg16[%dma_wait3A_129] : memref<1304576xf32, #tpu.memory_space<hbm>> -> memref<100352xf32, #tpu.memory_space<hbm>>
    %dma_wait3A_131 = arith.constant 0 : i32
    %dma_wait3A_132 = tpu.memref_slice %dma_wait3A_130[%dma_wait3A_131] : memref<100352xf32, #tpu.memory_space<hbm>> -> memref<100352xf32, #tpu.memory_space<hbm>>
    tpu.wait_indirect_dma semaphore(%arg48 : memref<!tpu.dma_semaphore, #tpu.memory_space<semaphore_mem>>) src(%dma_wait3A_132 : memref<100352xf32, #tpu.memory_space<hbm>>) dst(%arg36 : memref<512xf32, #tpu.memory_space<vmem>>)
    %dma_wait3A_133 = arith.constant 602112 : i32
    %dma_wait3A_134 = tpu.memref_slice %arg16[%dma_wait3A_133] : memref<1304576xf32, #tpu.memory_space<hbm>> -> memref<100352xf32, #tpu.memory_space<hbm>>
    %dma_wait3A_135 = arith.constant 0 : i32
    %dma_wait3A_136 = tpu.memref_slice %dma_wait3A_134[%dma_wait3A_135] : memref<100352xf32, #tpu.memory_space<hbm>> -> memref<100352xf32, #tpu.memory_space<hbm>>
    tpu.wait_indirect_dma semaphore(%arg48 : memref<!tpu.dma_semaphore, #tpu.memory_space<semaphore_mem>>) src(%dma_wait3A_136 : memref<100352xf32, #tpu.memory_space<hbm>>) dst(%arg37 : memref<512xf32, #tpu.memory_space<vmem>>)
    %dma_wait3A_137 = arith.constant 702464 : i32
    %dma_wait3A_138 = tpu.memref_slice %arg16[%dma_wait3A_137] : memref<1304576xf32, #tpu.memory_space<hbm>> -> memref<100352xf32, #tpu.memory_space<hbm>>
    %dma_wait3A_139 = arith.constant 0 : i32
    %dma_wait3A_140 = tpu.memref_slice %dma_wait3A_138[%dma_wait3A_139] : memref<100352xf32, #tpu.memory_space<hbm>> -> memref<100352xf32, #tpu.memory_space<hbm>>
    tpu.wait_indirect_dma semaphore(%arg48 : memref<!tpu.dma_semaphore, #tpu.memory_space<semaphore_mem>>) src(%dma_wait3A_140 : memref<100352xf32, #tpu.memory_space<hbm>>) dst(%arg38 : memref<512xf32, #tpu.memory_space<vmem>>)
    %dma_wait3A_141 = arith.constant 802816 : i32
    %dma_wait3A_142 = tpu.memref_slice %arg16[%dma_wait3A_141] : memref<1304576xf32, #tpu.memory_space<hbm>> -> memref<100352xf32, #tpu.memory_space<hbm>>
    %dma_wait3A_143 = arith.constant 0 : i32
    %dma_wait3A_144 = tpu.memref_slice %dma_wait3A_142[%dma_wait3A_143] : memref<100352xf32, #tpu.memory_space<hbm>> -> memref<100352xf32, #tpu.memory_space<hbm>>
    tpu.wait_indirect_dma semaphore(%arg48 : memref<!tpu.dma_semaphore, #tpu.memory_space<semaphore_mem>>) src(%dma_wait3A_144 : memref<100352xf32, #tpu.memory_space<hbm>>) dst(%arg39 : memref<512xf32, #tpu.memory_space<vmem>>)
    %dma_wait3A_145 = arith.constant 903168 : i32
    %dma_wait3A_146 = tpu.memref_slice %arg16[%dma_wait3A_145] : memref<1304576xf32, #tpu.memory_space<hbm>> -> memref<100352xf32, #tpu.memory_space<hbm>>
    %dma_wait3A_147 = arith.constant 0 : i32
    %dma_wait3A_148 = tpu.memref_slice %dma_wait3A_146[%dma_wait3A_147] : memref<100352xf32, #tpu.memory_space<hbm>> -> memref<100352xf32, #tpu.memory_space<hbm>>
    tpu.wait_indirect_dma semaphore(%arg48 : memref<!tpu.dma_semaphore, #tpu.memory_space<semaphore_mem>>) src(%dma_wait3A_148 : memref<100352xf32, #tpu.memory_space<hbm>>) dst(%arg40 : memref<512xf32, #tpu.memory_space<vmem>>)
    %dma_wait3A_149 = arith.constant 1003520 : i32
    %dma_wait3A_150 = tpu.memref_slice %arg16[%dma_wait3A_149] : memref<1304576xf32, #tpu.memory_space<hbm>> -> memref<100352xf32, #tpu.memory_space<hbm>>
    %dma_wait3A_151 = arith.constant 0 : i32
    %dma_wait3A_152 = tpu.memref_slice %dma_wait3A_150[%dma_wait3A_151] : memref<100352xf32, #tpu.memory_space<hbm>> -> memref<100352xf32, #tpu.memory_space<hbm>>
    tpu.wait_indirect_dma semaphore(%arg48 : memref<!tpu.dma_semaphore, #tpu.memory_space<semaphore_mem>>) src(%dma_wait3A_152 : memref<100352xf32, #tpu.memory_space<hbm>>) dst(%arg41 : memref<512xf32, #tpu.memory_space<vmem>>)
    %dma_wait3A_153 = arith.constant 1103872 : i32
    %dma_wait3A_154 = tpu.memref_slice %arg16[%dma_wait3A_153] : memref<1304576xf32, #tpu.memory_space<hbm>> -> memref<100352xf32, #tpu.memory_space<hbm>>
    %dma_wait3A_155 = arith.constant 0 : i32
    %dma_wait3A_156 = tpu.memref_slice %dma_wait3A_154[%dma_wait3A_155] : memref<100352xf32, #tpu.memory_space<hbm>> -> memref<100352xf32, #tpu.memory_space<hbm>>
    tpu.wait_indirect_dma semaphore(%arg48 : memref<!tpu.dma_semaphore, #tpu.memory_space<semaphore_mem>>) src(%dma_wait3A_156 : memref<100352xf32, #tpu.memory_space<hbm>>) dst(%arg42 : memref<512xf32, #tpu.memory_space<vmem>>)
    %dma_wait3A_157 = arith.constant 1204224 : i32
    %dma_wait3A_158 = tpu.memref_slice %arg16[%dma_wait3A_157] : memref<1304576xf32, #tpu.memory_space<hbm>> -> memref<100352xf32, #tpu.memory_space<hbm>>
    %dma_wait3A_159 = arith.constant 0 : i32
    %dma_wait3A_160 = tpu.memref_slice %dma_wait3A_158[%dma_wait3A_159] : memref<100352xf32, #tpu.memory_space<hbm>> -> memref<100352xf32, #tpu.memory_space<hbm>>
    tpu.wait_indirect_dma semaphore(%arg48 : memref<!tpu.dma_semaphore, #tpu.memory_space<semaphore_mem>>) src(%dma_wait3A_160 : memref<100352xf32, #tpu.memory_space<hbm>>) dst(%arg43 : memref<512xf32, #tpu.memory_space<vmem>>)
    %scan3A = arith.constant 0 : i32
    %scan3A_161 = arith.constant 32 : i32
    %scan3A_162 = arith.addi %scan3A, %scan3A_161 : i32
    %scan3A_163 = arith.constant 1 : i32
    scf.for %scan3A_165 = %scan3A to %scan3A_162 step %scan3A_163  : i32 {
      %mul3A_166 = arith.constant 16 : i32
      %mul3A_167 = arith.muli %scan3A_165, %mul3A_166 : i32
      %get3A = arith.index_cast %mul3A_167 : i32 to index
      %get3A_168 = tpu.vector_load %arg31[%get3A] {strides = array<i32>} : memref<512xf32, #tpu.memory_space<vmem>>, vector<16xf32>,
      %get3A_169 = vector.shape_cast %get3A_168 : vector<16xf32> to vector<16xf32>
      %get3A_170 = arith.index_cast %mul3A_167 : i32 to index
      %get3A_171 = tpu.vector_load %arg32[%get3A_170] {strides = array<i32>} : memref<512xf32, #tpu.memory_space<vmem>>, vector<16xf32>,
      %get3A_172 = vector.shape_cast %get3A_171 : vector<16xf32> to vector<16xf32>
      %add3A_173 = arith.addf %get3A_169, %get3A_172 : vector<16xf32>
      %get3A_174 = arith.index_cast %mul3A_167 : i32 to index
      %get3A_175 = tpu.vector_load %arg33[%get3A_174] {strides = array<i32>} : memref<512xf32, #tpu.memory_space<vmem>>, vector<16xf32>,
      %get3A_176 = vector.shape_cast %get3A_175 : vector<16xf32> to vector<16xf32>
      %add3A_177 = arith.addf %add3A_173, %get3A_176 : vector<16xf32>
      %get3A_178 = arith.index_cast %mul3A_167 : i32 to index
      %get3A_179 = tpu.vector_load %arg34[%get3A_178] {strides = array<i32>} : memref<512xf32, #tpu.memory_space<vmem>>, vector<16xf32>,
      %get3A_180 = vector.shape_cast %get3A_179 : vector<16xf32> to vector<16xf32>
      %add3A_181 = arith.addf %add3A_177, %get3A_180 : vector<16xf32>
      %get3A_182 = arith.index_cast %mul3A_167 : i32 to index
      %get3A_183 = tpu.vector_load %arg35[%get3A_182] {strides = array<i32>} : memref<512xf32, #tpu.memory_space<vmem>>, vector<16xf32>,
      %get3A_184 = vector.shape_cast %get3A_183 : vector<16xf32> to vector<16xf32>
      %add3A_185 = arith.addf %add3A_181, %get3A_184 : vector<16xf32>
      %get3A_186 = arith.index_cast %mul3A_167 : i32 to index
      %get3A_187 = tpu.vector_load %arg36[%get3A_186] {strides = array<i32>} : memref<512xf32, #tpu.memory_space<vmem>>, vector<16xf32>,
      %get3A_188 = vector.shape_cast %get3A_187 : vector<16xf32> to vector<16xf32>
      %add3A_189 = arith.addf %add3A_185, %get3A_188 : vector<16xf32>
      %get3A_190 = arith.index_cast %mul3A_167 : i32 to index
      %get3A_191 = tpu.vector_load %arg37[%get3A_190] {strides = array<i32>} : memref<512xf32, #tpu.memory_space<vmem>>, vector<16xf32>,
      %get3A_192 = vector.shape_cast %get3A_191 : vector<16xf32> to vector<16xf32>
      %add3A_193 = arith.addf %add3A_189, %get3A_192 : vector<16xf32>
      %get3A_194 = arith.index_cast %mul3A_167 : i32 to index
      %get3A_195 = tpu.vector_load %arg38[%get3A_194] {strides = array<i32>} : memref<512xf32, #tpu.memory_space<vmem>>, vector<16xf32>,
      %get3A_196 = vector.shape_cast %get3A_195 : vector<16xf32> to vector<16xf32>
      %add3A_197 = arith.addf %add3A_193, %get3A_196 : vector<16xf32>
      %get3A_198 = arith.index_cast %mul3A_167 : i32 to index
      %get3A_199 = tpu.vector_load %arg39[%get3A_198] {strides = array<i32>} : memref<512xf32, #tpu.memory_space<vmem>>, vector<16xf32>,
      %get3A_200 = vector.shape_cast %get3A_199 : vector<16xf32> to vector<16xf32>
      %add3A_201 = arith.addf %add3A_197, %get3A_200 : vector<16xf32>
      %get3A_202 = arith.index_cast %mul3A_167 : i32 to index
      %get3A_203 = tpu.vector_load %arg40[%get3A_202] {strides = array<i32>} : memref<512xf32, #tpu.memory_space<vmem>>, vector<16xf32>,
      %get3A_204 = vector.shape_cast %get3A_203 : vector<16xf32> to vector<16xf32>
      %add3A_205 = arith.addf %add3A_201, %get3A_204 : vector<16xf32>
      %get3A_206 = arith.index_cast %mul3A_167 : i32 to index
      %get3A_207 = tpu.vector_load %arg41[%get3A_206] {strides = array<i32>} : memref<512xf32, #tpu.memory_space<vmem>>, vector<16xf32>,
      %get3A_208 = vector.shape_cast %get3A_207 : vector<16xf32> to vector<16xf32>
      %add3A_209 = arith.addf %add3A_205, %get3A_208 : vector<16xf32>
      %get3A_210 = arith.index_cast %mul3A_167 : i32 to index
      %get3A_211 = tpu.vector_load %arg42[%get3A_210] {strides = array<i32>} : memref<512xf32, #tpu.memory_space<vmem>>, vector<16xf32>,
      %get3A_212 = vector.shape_cast %get3A_211 : vector<16xf32> to vector<16xf32>
      %add3A_213 = arith.addf %add3A_209, %get3A_212 : vector<16xf32>
      %get3A_214 = arith.index_cast %mul3A_167 : i32 to index
      %get3A_215 = tpu.vector_load %arg43[%get3A_214] {strides = array<i32>} : memref<512xf32, #tpu.memory_space<vmem>>, vector<16xf32>,
      %get3A_216 = vector.shape_cast %get3A_215 : vector<16xf32> to vector<16xf32>
      %add3A_217 = arith.addf %add3A_213, %get3A_216 : vector<16xf32>
      %get3A_218 = arith.index_cast %mul3A_167 : i32 to index
      %get3A_219 = tpu.vector_load %arg44[%get3A_218] {strides = array<i32>} : memref<512xf32, #tpu.memory_space<vmem>>, vector<16xf32>,
      %get3A_220 = vector.shape_cast %get3A_219 : vector<16xf32> to vector<16xf32>
      %add3A_221 = arith.addf %add3A_217, %get3A_220 : vector<16xf32>
      %swap3A = arith.index_cast %mul3A_167 : i32 to index
      %swap3A_222 = tpu.vector_load %arg46[%swap3A] {strides = array<i32>} : memref<512xf32, #tpu.memory_space<vmem>>, vector<16xf32>,
      %swap3A_223 = vector.shape_cast %swap3A_222 : vector<16xf32> to vector<16xf32>
      %swap3A_224 = vector.shape_cast %add3A_221 : vector<16xf32> to vector<16xf32>
      tpu.vector_store %arg46[%swap3A], %swap3A_224 {strides = array<i32>} : memref<512xf32, #tpu.memory_space<vmem>>, vector<16xf32>,
    }
    %scan3A_164 = arith.constant 32 : i32
    "tpu.region"() ({
      %run_scoped3A = tpu.sem_alloc : memref<!tpu.dma_semaphore, #tpu.memory_space<semaphore_mem>>
      %dma_start3A_165 = tpu.memref_slice %arg17[%mul3A_2] : memref<16384xf32, #tpu.memory_space<hbm>> -> memref<512xf32, #tpu.memory_space<hbm>>
      %dma_start3A_166 = tpu.memref_slice %arg17[%mul3A_2] : memref<16384xf32, #tpu.memory_space<hbm>> -> memref<512xf32, #tpu.memory_space<hbm>>
      tpu.enqueue_dma source(%arg46 : memref<512xf32, #tpu.memory_space<vmem>>) target(%dma_start3A_166 : memref<512xf32, #tpu.memory_space<hbm>>) target_semaphore(%run_scoped3A : memref<!tpu.dma_semaphore, #tpu.memory_space<semaphore_mem>>)
      %dma_wait3A_167 = tpu.memref_slice %arg17[%mul3A_2] : memref<16384xf32, #tpu.memory_space<hbm>> -> memref<512xf32, #tpu.memory_space<hbm>>
      %dma_wait3A_168 = tpu.memref_slice %arg17[%mul3A_2] : memref<16384xf32, #tpu.memory_space<hbm>> -> memref<512xf32, #tpu.memory_space<hbm>>
      tpu.wait_dma2 semaphore(%run_scoped3A : memref<!tpu.dma_semaphore, #tpu.memory_space<semaphore_mem>>) src(%arg46 : memref<512xf32, #tpu.memory_space<vmem>>) dst(%dma_wait3A_168 : memref<512xf32, #tpu.memory_space<hbm>>)
      tpu.yield
    }) : () -> ()
    return
  }
}

#map = affine_map<(d0, d1) -> (0, 0)>
#map1 = affine_map<(d0, d1) -> (0)>
module attributes {stable_mosaic.version = 14 : i64} {
  func.func @phase(%arg0: i32, %arg1: i32, %arg2: memref<13x16xf32, #tpu.memory_space<hbm>>, %arg3: memref<16384xi32, #tpu.memory_space<hbm>>, %arg4: memref<16384xi32, #tpu.memory_space<hbm>>, %arg5: memref<16384xi32, #tpu.memory_space<hbm>>, %arg6: memref<16384xi32, #tpu.memory_space<hbm>>, %arg7: memref<16384xi32, #tpu.memory_space<hbm>>, %arg8: memref<16384xi32, #tpu.memory_space<hbm>>, %arg9: memref<16384xi32, #tpu.memory_space<hbm>>, %arg10: memref<16384xi32, #tpu.memory_space<hbm>>, %arg11: memref<16384xi32, #tpu.memory_space<hbm>>, %arg12: memref<16384xi32, #tpu.memory_space<hbm>>, %arg13: memref<16384xi32, #tpu.memory_space<hbm>>, %arg14: memref<16384xi32, #tpu.memory_space<hbm>>, %arg15: memref<16384xi32, #tpu.memory_space<hbm>>, %arg16: memref<16384xf32, #tpu.memory_space<hbm>>, %arg17: memref<16384xf32, #tpu.memory_space<hbm>>, %arg18: memref<16384xf32, #tpu.memory_space<hbm>>, %arg19: memref<16384xf32, #tpu.memory_space<hbm>>, %arg20: memref<16384xf32, #tpu.memory_space<hbm>>, %arg21: memref<16384xf32, #tpu.memory_space<hbm>>, %arg22: memref<16384xf32, #tpu.memory_space<hbm>>, %arg23: memref<16384xf32, #tpu.memory_space<hbm>>, %arg24: memref<16384xf32, #tpu.memory_space<hbm>>, %arg25: memref<16384xf32, #tpu.memory_space<hbm>>, %arg26: memref<16384xf32, #tpu.memory_space<hbm>>, %arg27: memref<16384xf32, #tpu.memory_space<hbm>>, %arg28: memref<16384xf32, #tpu.memory_space<hbm>>, %arg29: memref<1304576xf32, #tpu.memory_space<hbm>>, %arg30: memref<16384xf32, #tpu.memory_space<hbm>>, %arg31: memref<512xi32, #tpu.memory_space<vmem>>, %arg32: memref<512xi32, #tpu.memory_space<vmem>>, %arg33: memref<512xi32, #tpu.memory_space<vmem>>, %arg34: memref<512xi32, #tpu.memory_space<vmem>>, %arg35: memref<512xi32, #tpu.memory_space<vmem>>, %arg36: memref<512xi32, #tpu.memory_space<vmem>>, %arg37: memref<512xi32, #tpu.memory_space<vmem>>, %arg38: memref<512xi32, #tpu.memory_space<vmem>>, %arg39: memref<512xi32, #tpu.memory_space<vmem>>, %arg40: memref<512xi32, #tpu.memory_space<vmem>>, %arg41: memref<512xi32, #tpu.memory_space<vmem>>, %arg42: memref<512xi32, #tpu.memory_space<vmem>>, %arg43: memref<512xi32, #tpu.memory_space<vmem>>, %arg44: memref<512xf32, #tpu.memory_space<vmem>>, %arg45: memref<512xf32, #tpu.memory_space<vmem>>, %arg46: memref<512xf32, #tpu.memory_space<vmem>>, %arg47: memref<512xf32, #tpu.memory_space<vmem>>, %arg48: memref<512xf32, #tpu.memory_space<vmem>>, %arg49: memref<512xf32, #tpu.memory_space<vmem>>, %arg50: memref<512xf32, #tpu.memory_space<vmem>>, %arg51: memref<512xf32, #tpu.memory_space<vmem>>, %arg52: memref<512xf32, #tpu.memory_space<vmem>>, %arg53: memref<512xf32, #tpu.memory_space<vmem>>, %arg54: memref<512xf32, #tpu.memory_space<vmem>>, %arg55: memref<512xf32, #tpu.memory_space<vmem>>, %arg56: memref<512xf32, #tpu.memory_space<vmem>>, %arg57: memref<512xf32, #tpu.memory_space<vmem>>, %arg58: memref<512xf32, #tpu.memory_space<vmem>>, %arg59: memref<512xf32, #tpu.memory_space<vmem>>, %arg60: memref<512xf32, #tpu.memory_space<vmem>>, %arg61: memref<512xf32, #tpu.memory_space<vmem>>, %arg62: memref<512xf32, #tpu.memory_space<vmem>>, %arg63: memref<512xf32, #tpu.memory_space<vmem>>, %arg64: memref<512xf32, #tpu.memory_space<vmem>>, %arg65: memref<512xf32, #tpu.memory_space<vmem>>, %arg66: memref<512xf32, #tpu.memory_space<vmem>>, %arg67: memref<512xf32, #tpu.memory_space<vmem>>, %arg68: memref<512xf32, #tpu.memory_space<vmem>>, %arg69: memref<512xf32, #tpu.memory_space<vmem>>, %arg70: memref<13x16xf32, #tpu.memory_space<vmem>>, %arg71: memref<512xf32, #tpu.memory_space<vmem>>, %arg72: memref<!tpu.dma_semaphore, #tpu.memory_space<semaphore_mem>>, %arg73: memref<!tpu.dma_semaphore, #tpu.memory_space<semaphore_mem>>) attributes {dimension_semantics = [#tpu.dimension_semantics<core_parallel>, #tpu.dimension_semantics<subcore_parallel>], iteration_bounds = array<i64: 2, 16>, scalar_prefetch = 0 : i64, scratch_operands = 43 : i64, tpu.core_type = #tpu.core_type<sc_vector_subcore>, window_params = [{transform_indices = #map}, {transform_indices = #map1}, {transform_indices = #map1}, {transform_indices = #map1}, {transform_indices = #map1}, {transform_indices = #map1}, {transform_indices = #map1}, {transform_indices = #map1}, {transform_indices = #map1}, {transform_indices = #map1}, {transform_indices = #map1}, {transform_indices = #map1}, {transform_indices = #map1}, {transform_indices = #map1}, {transform_indices = #map1}, {transform_indices = #map1}, {transform_indices = #map1}, {transform_indices = #map1}, {transform_indices = #map1}, {transform_indices = #map1}, {transform_indices = #map1}, {transform_indices = #map1}, {transform_indices = #map1}, {transform_indices = #map1}, {transform_indices = #map1}, {transform_indices = #map1}, {transform_indices = #map1}, {transform_indices = #map1}, {transform_indices = #map1}]} {
    %mul3A = arith.constant 2 : i32
    %mul3A_0 = arith.muli %arg1, %mul3A : i32
    %add3A = arith.addi %mul3A_0, %arg0 : i32
    %mul3A_1 = arith.constant 512 : i32
    %mul3A_2 = arith.muli %add3A, %mul3A_1 : i32
    tpu.enqueue_dma source(%arg2 : memref<13x16xf32, #tpu.memory_space<hbm>>) target(%arg70 : memref<13x16xf32, #tpu.memory_space<vmem>>) target_semaphore(%arg72 : memref<!tpu.dma_semaphore, #tpu.memory_space<semaphore_mem>>)
    %dma_start3A = tpu.memref_slice %arg3[%mul3A_2] : memref<16384xi32, #tpu.memory_space<hbm>> -> memref<512xi32, #tpu.memory_space<hbm>>
    %dma_start3A_3 = tpu.memref_slice %arg3[%mul3A_2] : memref<16384xi32, #tpu.memory_space<hbm>> -> memref<512xi32, #tpu.memory_space<hbm>>
    tpu.enqueue_dma source(%dma_start3A_3 : memref<512xi32, #tpu.memory_space<hbm>>) target(%arg31 : memref<512xi32, #tpu.memory_space<vmem>>) target_semaphore(%arg72 : memref<!tpu.dma_semaphore, #tpu.memory_space<semaphore_mem>>)
    %dma_start3A_4 = tpu.memref_slice %arg4[%mul3A_2] : memref<16384xi32, #tpu.memory_space<hbm>> -> memref<512xi32, #tpu.memory_space<hbm>>
    %dma_start3A_5 = tpu.memref_slice %arg4[%mul3A_2] : memref<16384xi32, #tpu.memory_space<hbm>> -> memref<512xi32, #tpu.memory_space<hbm>>
    tpu.enqueue_dma source(%dma_start3A_5 : memref<512xi32, #tpu.memory_space<hbm>>) target(%arg32 : memref<512xi32, #tpu.memory_space<vmem>>) target_semaphore(%arg72 : memref<!tpu.dma_semaphore, #tpu.memory_space<semaphore_mem>>)
    %dma_start3A_6 = tpu.memref_slice %arg5[%mul3A_2] : memref<16384xi32, #tpu.memory_space<hbm>> -> memref<512xi32, #tpu.memory_space<hbm>>
    %dma_start3A_7 = tpu.memref_slice %arg5[%mul3A_2] : memref<16384xi32, #tpu.memory_space<hbm>> -> memref<512xi32, #tpu.memory_space<hbm>>
    tpu.enqueue_dma source(%dma_start3A_7 : memref<512xi32, #tpu.memory_space<hbm>>) target(%arg33 : memref<512xi32, #tpu.memory_space<vmem>>) target_semaphore(%arg72 : memref<!tpu.dma_semaphore, #tpu.memory_space<semaphore_mem>>)
    %dma_start3A_8 = tpu.memref_slice %arg6[%mul3A_2] : memref<16384xi32, #tpu.memory_space<hbm>> -> memref<512xi32, #tpu.memory_space<hbm>>
    %dma_start3A_9 = tpu.memref_slice %arg6[%mul3A_2] : memref<16384xi32, #tpu.memory_space<hbm>> -> memref<512xi32, #tpu.memory_space<hbm>>
    tpu.enqueue_dma source(%dma_start3A_9 : memref<512xi32, #tpu.memory_space<hbm>>) target(%arg34 : memref<512xi32, #tpu.memory_space<vmem>>) target_semaphore(%arg72 : memref<!tpu.dma_semaphore, #tpu.memory_space<semaphore_mem>>)
    %dma_start3A_10 = tpu.memref_slice %arg7[%mul3A_2] : memref<16384xi32, #tpu.memory_space<hbm>> -> memref<512xi32, #tpu.memory_space<hbm>>
    %dma_start3A_11 = tpu.memref_slice %arg7[%mul3A_2] : memref<16384xi32, #tpu.memory_space<hbm>> -> memref<512xi32, #tpu.memory_space<hbm>>
    tpu.enqueue_dma source(%dma_start3A_11 : memref<512xi32, #tpu.memory_space<hbm>>) target(%arg35 : memref<512xi32, #tpu.memory_space<vmem>>) target_semaphore(%arg72 : memref<!tpu.dma_semaphore, #tpu.memory_space<semaphore_mem>>)
    %dma_start3A_12 = tpu.memref_slice %arg8[%mul3A_2] : memref<16384xi32, #tpu.memory_space<hbm>> -> memref<512xi32, #tpu.memory_space<hbm>>
    %dma_start3A_13 = tpu.memref_slice %arg8[%mul3A_2] : memref<16384xi32, #tpu.memory_space<hbm>> -> memref<512xi32, #tpu.memory_space<hbm>>
    tpu.enqueue_dma source(%dma_start3A_13 : memref<512xi32, #tpu.memory_space<hbm>>) target(%arg36 : memref<512xi32, #tpu.memory_space<vmem>>) target_semaphore(%arg72 : memref<!tpu.dma_semaphore, #tpu.memory_space<semaphore_mem>>)
    %dma_start3A_14 = tpu.memref_slice %arg9[%mul3A_2] : memref<16384xi32, #tpu.memory_space<hbm>> -> memref<512xi32, #tpu.memory_space<hbm>>
    %dma_start3A_15 = tpu.memref_slice %arg9[%mul3A_2] : memref<16384xi32, #tpu.memory_space<hbm>> -> memref<512xi32, #tpu.memory_space<hbm>>
    tpu.enqueue_dma source(%dma_start3A_15 : memref<512xi32, #tpu.memory_space<hbm>>) target(%arg37 : memref<512xi32, #tpu.memory_space<vmem>>) target_semaphore(%arg72 : memref<!tpu.dma_semaphore, #tpu.memory_space<semaphore_mem>>)
    %dma_start3A_16 = tpu.memref_slice %arg10[%mul3A_2] : memref<16384xi32, #tpu.memory_space<hbm>> -> memref<512xi32, #tpu.memory_space<hbm>>
    %dma_start3A_17 = tpu.memref_slice %arg10[%mul3A_2] : memref<16384xi32, #tpu.memory_space<hbm>> -> memref<512xi32, #tpu.memory_space<hbm>>
    tpu.enqueue_dma source(%dma_start3A_17 : memref<512xi32, #tpu.memory_space<hbm>>) target(%arg38 : memref<512xi32, #tpu.memory_space<vmem>>) target_semaphore(%arg72 : memref<!tpu.dma_semaphore, #tpu.memory_space<semaphore_mem>>)
    %dma_start3A_18 = tpu.memref_slice %arg11[%mul3A_2] : memref<16384xi32, #tpu.memory_space<hbm>> -> memref<512xi32, #tpu.memory_space<hbm>>
    %dma_start3A_19 = tpu.memref_slice %arg11[%mul3A_2] : memref<16384xi32, #tpu.memory_space<hbm>> -> memref<512xi32, #tpu.memory_space<hbm>>
    tpu.enqueue_dma source(%dma_start3A_19 : memref<512xi32, #tpu.memory_space<hbm>>) target(%arg39 : memref<512xi32, #tpu.memory_space<vmem>>) target_semaphore(%arg72 : memref<!tpu.dma_semaphore, #tpu.memory_space<semaphore_mem>>)
    %dma_start3A_20 = tpu.memref_slice %arg12[%mul3A_2] : memref<16384xi32, #tpu.memory_space<hbm>> -> memref<512xi32, #tpu.memory_space<hbm>>
    %dma_start3A_21 = tpu.memref_slice %arg12[%mul3A_2] : memref<16384xi32, #tpu.memory_space<hbm>> -> memref<512xi32, #tpu.memory_space<hbm>>
    tpu.enqueue_dma source(%dma_start3A_21 : memref<512xi32, #tpu.memory_space<hbm>>) target(%arg40 : memref<512xi32, #tpu.memory_space<vmem>>) target_semaphore(%arg72 : memref<!tpu.dma_semaphore, #tpu.memory_space<semaphore_mem>>)
    %dma_start3A_22 = tpu.memref_slice %arg13[%mul3A_2] : memref<16384xi32, #tpu.memory_space<hbm>> -> memref<512xi32, #tpu.memory_space<hbm>>
    %dma_start3A_23 = tpu.memref_slice %arg13[%mul3A_2] : memref<16384xi32, #tpu.memory_space<hbm>> -> memref<512xi32, #tpu.memory_space<hbm>>
    tpu.enqueue_dma source(%dma_start3A_23 : memref<512xi32, #tpu.memory_space<hbm>>) target(%arg41 : memref<512xi32, #tpu.memory_space<vmem>>) target_semaphore(%arg72 : memref<!tpu.dma_semaphore, #tpu.memory_space<semaphore_mem>>)
    %dma_start3A_24 = tpu.memref_slice %arg14[%mul3A_2] : memref<16384xi32, #tpu.memory_space<hbm>> -> memref<512xi32, #tpu.memory_space<hbm>>
    %dma_start3A_25 = tpu.memref_slice %arg14[%mul3A_2] : memref<16384xi32, #tpu.memory_space<hbm>> -> memref<512xi32, #tpu.memory_space<hbm>>
    tpu.enqueue_dma source(%dma_start3A_25 : memref<512xi32, #tpu.memory_space<hbm>>) target(%arg42 : memref<512xi32, #tpu.memory_space<vmem>>) target_semaphore(%arg72 : memref<!tpu.dma_semaphore, #tpu.memory_space<semaphore_mem>>)
    %dma_start3A_26 = tpu.memref_slice %arg15[%mul3A_2] : memref<16384xi32, #tpu.memory_space<hbm>> -> memref<512xi32, #tpu.memory_space<hbm>>
    %dma_start3A_27 = tpu.memref_slice %arg15[%mul3A_2] : memref<16384xi32, #tpu.memory_space<hbm>> -> memref<512xi32, #tpu.memory_space<hbm>>
    tpu.enqueue_dma source(%dma_start3A_27 : memref<512xi32, #tpu.memory_space<hbm>>) target(%arg43 : memref<512xi32, #tpu.memory_space<vmem>>) target_semaphore(%arg72 : memref<!tpu.dma_semaphore, #tpu.memory_space<semaphore_mem>>)
    %dma_start3A_28 = tpu.memref_slice %arg16[%mul3A_2] : memref<16384xf32, #tpu.memory_space<hbm>> -> memref<512xf32, #tpu.memory_space<hbm>>
    %dma_start3A_29 = tpu.memref_slice %arg16[%mul3A_2] : memref<16384xf32, #tpu.memory_space<hbm>> -> memref<512xf32, #tpu.memory_space<hbm>>
    tpu.enqueue_dma source(%dma_start3A_29 : memref<512xf32, #tpu.memory_space<hbm>>) target(%arg57 : memref<512xf32, #tpu.memory_space<vmem>>) target_semaphore(%arg72 : memref<!tpu.dma_semaphore, #tpu.memory_space<semaphore_mem>>)
    %dma_start3A_30 = tpu.memref_slice %arg17[%mul3A_2] : memref<16384xf32, #tpu.memory_space<hbm>> -> memref<512xf32, #tpu.memory_space<hbm>>
    %dma_start3A_31 = tpu.memref_slice %arg17[%mul3A_2] : memref<16384xf32, #tpu.memory_space<hbm>> -> memref<512xf32, #tpu.memory_space<hbm>>
    tpu.enqueue_dma source(%dma_start3A_31 : memref<512xf32, #tpu.memory_space<hbm>>) target(%arg58 : memref<512xf32, #tpu.memory_space<vmem>>) target_semaphore(%arg72 : memref<!tpu.dma_semaphore, #tpu.memory_space<semaphore_mem>>)
    %dma_start3A_32 = tpu.memref_slice %arg18[%mul3A_2] : memref<16384xf32, #tpu.memory_space<hbm>> -> memref<512xf32, #tpu.memory_space<hbm>>
    %dma_start3A_33 = tpu.memref_slice %arg18[%mul3A_2] : memref<16384xf32, #tpu.memory_space<hbm>> -> memref<512xf32, #tpu.memory_space<hbm>>
    tpu.enqueue_dma source(%dma_start3A_33 : memref<512xf32, #tpu.memory_space<hbm>>) target(%arg59 : memref<512xf32, #tpu.memory_space<vmem>>) target_semaphore(%arg72 : memref<!tpu.dma_semaphore, #tpu.memory_space<semaphore_mem>>)
    %dma_start3A_34 = tpu.memref_slice %arg19[%mul3A_2] : memref<16384xf32, #tpu.memory_space<hbm>> -> memref<512xf32, #tpu.memory_space<hbm>>
    %dma_start3A_35 = tpu.memref_slice %arg19[%mul3A_2] : memref<16384xf32, #tpu.memory_space<hbm>> -> memref<512xf32, #tpu.memory_space<hbm>>
    tpu.enqueue_dma source(%dma_start3A_35 : memref<512xf32, #tpu.memory_space<hbm>>) target(%arg60 : memref<512xf32, #tpu.memory_space<vmem>>) target_semaphore(%arg72 : memref<!tpu.dma_semaphore, #tpu.memory_space<semaphore_mem>>)
    %dma_start3A_36 = tpu.memref_slice %arg20[%mul3A_2] : memref<16384xf32, #tpu.memory_space<hbm>> -> memref<512xf32, #tpu.memory_space<hbm>>
    %dma_start3A_37 = tpu.memref_slice %arg20[%mul3A_2] : memref<16384xf32, #tpu.memory_space<hbm>> -> memref<512xf32, #tpu.memory_space<hbm>>
    tpu.enqueue_dma source(%dma_start3A_37 : memref<512xf32, #tpu.memory_space<hbm>>) target(%arg61 : memref<512xf32, #tpu.memory_space<vmem>>) target_semaphore(%arg72 : memref<!tpu.dma_semaphore, #tpu.memory_space<semaphore_mem>>)
    %dma_start3A_38 = tpu.memref_slice %arg21[%mul3A_2] : memref<16384xf32, #tpu.memory_space<hbm>> -> memref<512xf32, #tpu.memory_space<hbm>>
    %dma_start3A_39 = tpu.memref_slice %arg21[%mul3A_2] : memref<16384xf32, #tpu.memory_space<hbm>> -> memref<512xf32, #tpu.memory_space<hbm>>
    tpu.enqueue_dma source(%dma_start3A_39 : memref<512xf32, #tpu.memory_space<hbm>>) target(%arg62 : memref<512xf32, #tpu.memory_space<vmem>>) target_semaphore(%arg72 : memref<!tpu.dma_semaphore, #tpu.memory_space<semaphore_mem>>)
    %dma_start3A_40 = tpu.memref_slice %arg22[%mul3A_2] : memref<16384xf32, #tpu.memory_space<hbm>> -> memref<512xf32, #tpu.memory_space<hbm>>
    %dma_start3A_41 = tpu.memref_slice %arg22[%mul3A_2] : memref<16384xf32, #tpu.memory_space<hbm>> -> memref<512xf32, #tpu.memory_space<hbm>>
    tpu.enqueue_dma source(%dma_start3A_41 : memref<512xf32, #tpu.memory_space<hbm>>) target(%arg63 : memref<512xf32, #tpu.memory_space<vmem>>) target_semaphore(%arg72 : memref<!tpu.dma_semaphore, #tpu.memory_space<semaphore_mem>>)
    %dma_start3A_42 = tpu.memref_slice %arg23[%mul3A_2] : memref<16384xf32, #tpu.memory_space<hbm>> -> memref<512xf32, #tpu.memory_space<hbm>>
    %dma_start3A_43 = tpu.memref_slice %arg23[%mul3A_2] : memref<16384xf32, #tpu.memory_space<hbm>> -> memref<512xf32, #tpu.memory_space<hbm>>
    tpu.enqueue_dma source(%dma_start3A_43 : memref<512xf32, #tpu.memory_space<hbm>>) target(%arg64 : memref<512xf32, #tpu.memory_space<vmem>>) target_semaphore(%arg72 : memref<!tpu.dma_semaphore, #tpu.memory_space<semaphore_mem>>)
    %dma_start3A_44 = tpu.memref_slice %arg24[%mul3A_2] : memref<16384xf32, #tpu.memory_space<hbm>> -> memref<512xf32, #tpu.memory_space<hbm>>
    %dma_start3A_45 = tpu.memref_slice %arg24[%mul3A_2] : memref<16384xf32, #tpu.memory_space<hbm>> -> memref<512xf32, #tpu.memory_space<hbm>>
    tpu.enqueue_dma source(%dma_start3A_45 : memref<512xf32, #tpu.memory_space<hbm>>) target(%arg65 : memref<512xf32, #tpu.memory_space<vmem>>) target_semaphore(%arg72 : memref<!tpu.dma_semaphore, #tpu.memory_space<semaphore_mem>>)
    %dma_start3A_46 = tpu.memref_slice %arg25[%mul3A_2] : memref<16384xf32, #tpu.memory_space<hbm>> -> memref<512xf32, #tpu.memory_space<hbm>>
    %dma_start3A_47 = tpu.memref_slice %arg25[%mul3A_2] : memref<16384xf32, #tpu.memory_space<hbm>> -> memref<512xf32, #tpu.memory_space<hbm>>
    tpu.enqueue_dma source(%dma_start3A_47 : memref<512xf32, #tpu.memory_space<hbm>>) target(%arg66 : memref<512xf32, #tpu.memory_space<vmem>>) target_semaphore(%arg72 : memref<!tpu.dma_semaphore, #tpu.memory_space<semaphore_mem>>)
    %dma_start3A_48 = tpu.memref_slice %arg26[%mul3A_2] : memref<16384xf32, #tpu.memory_space<hbm>> -> memref<512xf32, #tpu.memory_space<hbm>>
    %dma_start3A_49 = tpu.memref_slice %arg26[%mul3A_2] : memref<16384xf32, #tpu.memory_space<hbm>> -> memref<512xf32, #tpu.memory_space<hbm>>
    tpu.enqueue_dma source(%dma_start3A_49 : memref<512xf32, #tpu.memory_space<hbm>>) target(%arg67 : memref<512xf32, #tpu.memory_space<vmem>>) target_semaphore(%arg72 : memref<!tpu.dma_semaphore, #tpu.memory_space<semaphore_mem>>)
    %dma_start3A_50 = tpu.memref_slice %arg27[%mul3A_2] : memref<16384xf32, #tpu.memory_space<hbm>> -> memref<512xf32, #tpu.memory_space<hbm>>
    %dma_start3A_51 = tpu.memref_slice %arg27[%mul3A_2] : memref<16384xf32, #tpu.memory_space<hbm>> -> memref<512xf32, #tpu.memory_space<hbm>>
    tpu.enqueue_dma source(%dma_start3A_51 : memref<512xf32, #tpu.memory_space<hbm>>) target(%arg68 : memref<512xf32, #tpu.memory_space<vmem>>) target_semaphore(%arg72 : memref<!tpu.dma_semaphore, #tpu.memory_space<semaphore_mem>>)
    %dma_start3A_52 = tpu.memref_slice %arg28[%mul3A_2] : memref<16384xf32, #tpu.memory_space<hbm>> -> memref<512xf32, #tpu.memory_space<hbm>>
    %dma_start3A_53 = tpu.memref_slice %arg28[%mul3A_2] : memref<16384xf32, #tpu.memory_space<hbm>> -> memref<512xf32, #tpu.memory_space<hbm>>
    tpu.enqueue_dma source(%dma_start3A_53 : memref<512xf32, #tpu.memory_space<hbm>>) target(%arg69 : memref<512xf32, #tpu.memory_space<vmem>>) target_semaphore(%arg72 : memref<!tpu.dma_semaphore, #tpu.memory_space<semaphore_mem>>)
    tpu.wait_dma2 semaphore(%arg72 : memref<!tpu.dma_semaphore, #tpu.memory_space<semaphore_mem>>) src(%arg2 : memref<13x16xf32, #tpu.memory_space<hbm>>) dst(%arg70 : memref<13x16xf32, #tpu.memory_space<vmem>>)
    %dma_wait3A = tpu.memref_slice %arg3[%mul3A_2] : memref<16384xi32, #tpu.memory_space<hbm>> -> memref<512xi32, #tpu.memory_space<hbm>>
    %dma_wait3A_54 = tpu.memref_slice %arg3[%mul3A_2] : memref<16384xi32, #tpu.memory_space<hbm>> -> memref<512xi32, #tpu.memory_space<hbm>>
    tpu.wait_dma2 semaphore(%arg72 : memref<!tpu.dma_semaphore, #tpu.memory_space<semaphore_mem>>) src(%dma_wait3A_54 : memref<512xi32, #tpu.memory_space<hbm>>) dst(%arg31 : memref<512xi32, #tpu.memory_space<vmem>>)
    %dma_wait3A_55 = tpu.memref_slice %arg4[%mul3A_2] : memref<16384xi32, #tpu.memory_space<hbm>> -> memref<512xi32, #tpu.memory_space<hbm>>
    %dma_wait3A_56 = tpu.memref_slice %arg4[%mul3A_2] : memref<16384xi32, #tpu.memory_space<hbm>> -> memref<512xi32, #tpu.memory_space<hbm>>
    tpu.wait_dma2 semaphore(%arg72 : memref<!tpu.dma_semaphore, #tpu.memory_space<semaphore_mem>>) src(%dma_wait3A_56 : memref<512xi32, #tpu.memory_space<hbm>>) dst(%arg32 : memref<512xi32, #tpu.memory_space<vmem>>)
    %dma_wait3A_57 = tpu.memref_slice %arg5[%mul3A_2] : memref<16384xi32, #tpu.memory_space<hbm>> -> memref<512xi32, #tpu.memory_space<hbm>>
    %dma_wait3A_58 = tpu.memref_slice %arg5[%mul3A_2] : memref<16384xi32, #tpu.memory_space<hbm>> -> memref<512xi32, #tpu.memory_space<hbm>>
    tpu.wait_dma2 semaphore(%arg72 : memref<!tpu.dma_semaphore, #tpu.memory_space<semaphore_mem>>) src(%dma_wait3A_58 : memref<512xi32, #tpu.memory_space<hbm>>) dst(%arg33 : memref<512xi32, #tpu.memory_space<vmem>>)
    %dma_wait3A_59 = tpu.memref_slice %arg6[%mul3A_2] : memref<16384xi32, #tpu.memory_space<hbm>> -> memref<512xi32, #tpu.memory_space<hbm>>
    %dma_wait3A_60 = tpu.memref_slice %arg6[%mul3A_2] : memref<16384xi32, #tpu.memory_space<hbm>> -> memref<512xi32, #tpu.memory_space<hbm>>
    tpu.wait_dma2 semaphore(%arg72 : memref<!tpu.dma_semaphore, #tpu.memory_space<semaphore_mem>>) src(%dma_wait3A_60 : memref<512xi32, #tpu.memory_space<hbm>>) dst(%arg34 : memref<512xi32, #tpu.memory_space<vmem>>)
    %dma_wait3A_61 = tpu.memref_slice %arg7[%mul3A_2] : memref<16384xi32, #tpu.memory_space<hbm>> -> memref<512xi32, #tpu.memory_space<hbm>>
    %dma_wait3A_62 = tpu.memref_slice %arg7[%mul3A_2] : memref<16384xi32, #tpu.memory_space<hbm>> -> memref<512xi32, #tpu.memory_space<hbm>>
    tpu.wait_dma2 semaphore(%arg72 : memref<!tpu.dma_semaphore, #tpu.memory_space<semaphore_mem>>) src(%dma_wait3A_62 : memref<512xi32, #tpu.memory_space<hbm>>) dst(%arg35 : memref<512xi32, #tpu.memory_space<vmem>>)
    %dma_wait3A_63 = tpu.memref_slice %arg8[%mul3A_2] : memref<16384xi32, #tpu.memory_space<hbm>> -> memref<512xi32, #tpu.memory_space<hbm>>
    %dma_wait3A_64 = tpu.memref_slice %arg8[%mul3A_2] : memref<16384xi32, #tpu.memory_space<hbm>> -> memref<512xi32, #tpu.memory_space<hbm>>
    tpu.wait_dma2 semaphore(%arg72 : memref<!tpu.dma_semaphore, #tpu.memory_space<semaphore_mem>>) src(%dma_wait3A_64 : memref<512xi32, #tpu.memory_space<hbm>>) dst(%arg36 : memref<512xi32, #tpu.memory_space<vmem>>)
    %dma_wait3A_65 = tpu.memref_slice %arg9[%mul3A_2] : memref<16384xi32, #tpu.memory_space<hbm>> -> memref<512xi32, #tpu.memory_space<hbm>>
    %dma_wait3A_66 = tpu.memref_slice %arg9[%mul3A_2] : memref<16384xi32, #tpu.memory_space<hbm>> -> memref<512xi32, #tpu.memory_space<hbm>>
    tpu.wait_dma2 semaphore(%arg72 : memref<!tpu.dma_semaphore, #tpu.memory_space<semaphore_mem>>) src(%dma_wait3A_66 : memref<512xi32, #tpu.memory_space<hbm>>) dst(%arg37 : memref<512xi32, #tpu.memory_space<vmem>>)
    %dma_wait3A_67 = tpu.memref_slice %arg10[%mul3A_2] : memref<16384xi32, #tpu.memory_space<hbm>> -> memref<512xi32, #tpu.memory_space<hbm>>
    %dma_wait3A_68 = tpu.memref_slice %arg10[%mul3A_2] : memref<16384xi32, #tpu.memory_space<hbm>> -> memref<512xi32, #tpu.memory_space<hbm>>
    tpu.wait_dma2 semaphore(%arg72 : memref<!tpu.dma_semaphore, #tpu.memory_space<semaphore_mem>>) src(%dma_wait3A_68 : memref<512xi32, #tpu.memory_space<hbm>>) dst(%arg38 : memref<512xi32, #tpu.memory_space<vmem>>)
    %dma_wait3A_69 = tpu.memref_slice %arg11[%mul3A_2] : memref<16384xi32, #tpu.memory_space<hbm>> -> memref<512xi32, #tpu.memory_space<hbm>>
    %dma_wait3A_70 = tpu.memref_slice %arg11[%mul3A_2] : memref<16384xi32, #tpu.memory_space<hbm>> -> memref<512xi32, #tpu.memory_space<hbm>>
    tpu.wait_dma2 semaphore(%arg72 : memref<!tpu.dma_semaphore, #tpu.memory_space<semaphore_mem>>) src(%dma_wait3A_70 : memref<512xi32, #tpu.memory_space<hbm>>) dst(%arg39 : memref<512xi32, #tpu.memory_space<vmem>>)
    %dma_wait3A_71 = tpu.memref_slice %arg12[%mul3A_2] : memref<16384xi32, #tpu.memory_space<hbm>> -> memref<512xi32, #tpu.memory_space<hbm>>
    %dma_wait3A_72 = tpu.memref_slice %arg12[%mul3A_2] : memref<16384xi32, #tpu.memory_space<hbm>> -> memref<512xi32, #tpu.memory_space<hbm>>
    tpu.wait_dma2 semaphore(%arg72 : memref<!tpu.dma_semaphore, #tpu.memory_space<semaphore_mem>>) src(%dma_wait3A_72 : memref<512xi32, #tpu.memory_space<hbm>>) dst(%arg40 : memref<512xi32, #tpu.memory_space<vmem>>)
    %dma_wait3A_73 = tpu.memref_slice %arg13[%mul3A_2] : memref<16384xi32, #tpu.memory_space<hbm>> -> memref<512xi32, #tpu.memory_space<hbm>>
    %dma_wait3A_74 = tpu.memref_slice %arg13[%mul3A_2] : memref<16384xi32, #tpu.memory_space<hbm>> -> memref<512xi32, #tpu.memory_space<hbm>>
    tpu.wait_dma2 semaphore(%arg72 : memref<!tpu.dma_semaphore, #tpu.memory_space<semaphore_mem>>) src(%dma_wait3A_74 : memref<512xi32, #tpu.memory_space<hbm>>) dst(%arg41 : memref<512xi32, #tpu.memory_space<vmem>>)
    %dma_wait3A_75 = tpu.memref_slice %arg14[%mul3A_2] : memref<16384xi32, #tpu.memory_space<hbm>> -> memref<512xi32, #tpu.memory_space<hbm>>
    %dma_wait3A_76 = tpu.memref_slice %arg14[%mul3A_2] : memref<16384xi32, #tpu.memory_space<hbm>> -> memref<512xi32, #tpu.memory_space<hbm>>
    tpu.wait_dma2 semaphore(%arg72 : memref<!tpu.dma_semaphore, #tpu.memory_space<semaphore_mem>>) src(%dma_wait3A_76 : memref<512xi32, #tpu.memory_space<hbm>>) dst(%arg42 : memref<512xi32, #tpu.memory_space<vmem>>)
    %dma_wait3A_77 = tpu.memref_slice %arg15[%mul3A_2] : memref<16384xi32, #tpu.memory_space<hbm>> -> memref<512xi32, #tpu.memory_space<hbm>>
    %dma_wait3A_78 = tpu.memref_slice %arg15[%mul3A_2] : memref<16384xi32, #tpu.memory_space<hbm>> -> memref<512xi32, #tpu.memory_space<hbm>>
    tpu.wait_dma2 semaphore(%arg72 : memref<!tpu.dma_semaphore, #tpu.memory_space<semaphore_mem>>) src(%dma_wait3A_78 : memref<512xi32, #tpu.memory_space<hbm>>) dst(%arg43 : memref<512xi32, #tpu.memory_space<vmem>>)
    %dma_wait3A_79 = tpu.memref_slice %arg16[%mul3A_2] : memref<16384xf32, #tpu.memory_space<hbm>> -> memref<512xf32, #tpu.memory_space<hbm>>
    %dma_wait3A_80 = tpu.memref_slice %arg16[%mul3A_2] : memref<16384xf32, #tpu.memory_space<hbm>> -> memref<512xf32, #tpu.memory_space<hbm>>
    tpu.wait_dma2 semaphore(%arg72 : memref<!tpu.dma_semaphore, #tpu.memory_space<semaphore_mem>>) src(%dma_wait3A_80 : memref<512xf32, #tpu.memory_space<hbm>>) dst(%arg57 : memref<512xf32, #tpu.memory_space<vmem>>)
    %dma_wait3A_81 = tpu.memref_slice %arg17[%mul3A_2] : memref<16384xf32, #tpu.memory_space<hbm>> -> memref<512xf32, #tpu.memory_space<hbm>>
    %dma_wait3A_82 = tpu.memref_slice %arg17[%mul3A_2] : memref<16384xf32, #tpu.memory_space<hbm>> -> memref<512xf32, #tpu.memory_space<hbm>>
    tpu.wait_dma2 semaphore(%arg72 : memref<!tpu.dma_semaphore, #tpu.memory_space<semaphore_mem>>) src(%dma_wait3A_82 : memref<512xf32, #tpu.memory_space<hbm>>) dst(%arg58 : memref<512xf32, #tpu.memory_space<vmem>>)
    %dma_wait3A_83 = tpu.memref_slice %arg18[%mul3A_2] : memref<16384xf32, #tpu.memory_space<hbm>> -> memref<512xf32, #tpu.memory_space<hbm>>
    %dma_wait3A_84 = tpu.memref_slice %arg18[%mul3A_2] : memref<16384xf32, #tpu.memory_space<hbm>> -> memref<512xf32, #tpu.memory_space<hbm>>
    tpu.wait_dma2 semaphore(%arg72 : memref<!tpu.dma_semaphore, #tpu.memory_space<semaphore_mem>>) src(%dma_wait3A_84 : memref<512xf32, #tpu.memory_space<hbm>>) dst(%arg59 : memref<512xf32, #tpu.memory_space<vmem>>)
    %dma_wait3A_85 = tpu.memref_slice %arg19[%mul3A_2] : memref<16384xf32, #tpu.memory_space<hbm>> -> memref<512xf32, #tpu.memory_space<hbm>>
    %dma_wait3A_86 = tpu.memref_slice %arg19[%mul3A_2] : memref<16384xf32, #tpu.memory_space<hbm>> -> memref<512xf32, #tpu.memory_space<hbm>>
    tpu.wait_dma2 semaphore(%arg72 : memref<!tpu.dma_semaphore, #tpu.memory_space<semaphore_mem>>) src(%dma_wait3A_86 : memref<512xf32, #tpu.memory_space<hbm>>) dst(%arg60 : memref<512xf32, #tpu.memory_space<vmem>>)
    %dma_wait3A_87 = tpu.memref_slice %arg20[%mul3A_2] : memref<16384xf32, #tpu.memory_space<hbm>> -> memref<512xf32, #tpu.memory_space<hbm>>
    %dma_wait3A_88 = tpu.memref_slice %arg20[%mul3A_2] : memref<16384xf32, #tpu.memory_space<hbm>> -> memref<512xf32, #tpu.memory_space<hbm>>
    tpu.wait_dma2 semaphore(%arg72 : memref<!tpu.dma_semaphore, #tpu.memory_space<semaphore_mem>>) src(%dma_wait3A_88 : memref<512xf32, #tpu.memory_space<hbm>>) dst(%arg61 : memref<512xf32, #tpu.memory_space<vmem>>)
    %dma_wait3A_89 = tpu.memref_slice %arg21[%mul3A_2] : memref<16384xf32, #tpu.memory_space<hbm>> -> memref<512xf32, #tpu.memory_space<hbm>>
    %dma_wait3A_90 = tpu.memref_slice %arg21[%mul3A_2] : memref<16384xf32, #tpu.memory_space<hbm>> -> memref<512xf32, #tpu.memory_space<hbm>>
    tpu.wait_dma2 semaphore(%arg72 : memref<!tpu.dma_semaphore, #tpu.memory_space<semaphore_mem>>) src(%dma_wait3A_90 : memref<512xf32, #tpu.memory_space<hbm>>) dst(%arg62 : memref<512xf32, #tpu.memory_space<vmem>>)
    %dma_wait3A_91 = tpu.memref_slice %arg22[%mul3A_2] : memref<16384xf32, #tpu.memory_space<hbm>> -> memref<512xf32, #tpu.memory_space<hbm>>
    %dma_wait3A_92 = tpu.memref_slice %arg22[%mul3A_2] : memref<16384xf32, #tpu.memory_space<hbm>> -> memref<512xf32, #tpu.memory_space<hbm>>
    tpu.wait_dma2 semaphore(%arg72 : memref<!tpu.dma_semaphore, #tpu.memory_space<semaphore_mem>>) src(%dma_wait3A_92 : memref<512xf32, #tpu.memory_space<hbm>>) dst(%arg63 : memref<512xf32, #tpu.memory_space<vmem>>)
    %dma_wait3A_93 = tpu.memref_slice %arg23[%mul3A_2] : memref<16384xf32, #tpu.memory_space<hbm>> -> memref<512xf32, #tpu.memory_space<hbm>>
    %dma_wait3A_94 = tpu.memref_slice %arg23[%mul3A_2] : memref<16384xf32, #tpu.memory_space<hbm>> -> memref<512xf32, #tpu.memory_space<hbm>>
    tpu.wait_dma2 semaphore(%arg72 : memref<!tpu.dma_semaphore, #tpu.memory_space<semaphore_mem>>) src(%dma_wait3A_94 : memref<512xf32, #tpu.memory_space<hbm>>) dst(%arg64 : memref<512xf32, #tpu.memory_space<vmem>>)
    %dma_wait3A_95 = tpu.memref_slice %arg24[%mul3A_2] : memref<16384xf32, #tpu.memory_space<hbm>> -> memref<512xf32, #tpu.memory_space<hbm>>
    %dma_wait3A_96 = tpu.memref_slice %arg24[%mul3A_2] : memref<16384xf32, #tpu.memory_space<hbm>> -> memref<512xf32, #tpu.memory_space<hbm>>
    tpu.wait_dma2 semaphore(%arg72 : memref<!tpu.dma_semaphore, #tpu.memory_space<semaphore_mem>>) src(%dma_wait3A_96 : memref<512xf32, #tpu.memory_space<hbm>>) dst(%arg65 : memref<512xf32, #tpu.memory_space<vmem>>)
    %dma_wait3A_97 = tpu.memref_slice %arg25[%mul3A_2] : memref<16384xf32, #tpu.memory_space<hbm>> -> memref<512xf32, #tpu.memory_space<hbm>>
    %dma_wait3A_98 = tpu.memref_slice %arg25[%mul3A_2] : memref<16384xf32, #tpu.memory_space<hbm>> -> memref<512xf32, #tpu.memory_space<hbm>>
    tpu.wait_dma2 semaphore(%arg72 : memref<!tpu.dma_semaphore, #tpu.memory_space<semaphore_mem>>) src(%dma_wait3A_98 : memref<512xf32, #tpu.memory_space<hbm>>) dst(%arg66 : memref<512xf32, #tpu.memory_space<vmem>>)
    %dma_wait3A_99 = tpu.memref_slice %arg26[%mul3A_2] : memref<16384xf32, #tpu.memory_space<hbm>> -> memref<512xf32, #tpu.memory_space<hbm>>
    %dma_wait3A_100 = tpu.memref_slice %arg26[%mul3A_2] : memref<16384xf32, #tpu.memory_space<hbm>> -> memref<512xf32, #tpu.memory_space<hbm>>
    tpu.wait_dma2 semaphore(%arg72 : memref<!tpu.dma_semaphore, #tpu.memory_space<semaphore_mem>>) src(%dma_wait3A_100 : memref<512xf32, #tpu.memory_space<hbm>>) dst(%arg67 : memref<512xf32, #tpu.memory_space<vmem>>)
    %dma_wait3A_101 = tpu.memref_slice %arg27[%mul3A_2] : memref<16384xf32, #tpu.memory_space<hbm>> -> memref<512xf32, #tpu.memory_space<hbm>>
    %dma_wait3A_102 = tpu.memref_slice %arg27[%mul3A_2] : memref<16384xf32, #tpu.memory_space<hbm>> -> memref<512xf32, #tpu.memory_space<hbm>>
    tpu.wait_dma2 semaphore(%arg72 : memref<!tpu.dma_semaphore, #tpu.memory_space<semaphore_mem>>) src(%dma_wait3A_102 : memref<512xf32, #tpu.memory_space<hbm>>) dst(%arg68 : memref<512xf32, #tpu.memory_space<vmem>>)
    %dma_wait3A_103 = tpu.memref_slice %arg28[%mul3A_2] : memref<16384xf32, #tpu.memory_space<hbm>> -> memref<512xf32, #tpu.memory_space<hbm>>
    %dma_wait3A_104 = tpu.memref_slice %arg28[%mul3A_2] : memref<16384xf32, #tpu.memory_space<hbm>> -> memref<512xf32, #tpu.memory_space<hbm>>
    tpu.wait_dma2 semaphore(%arg72 : memref<!tpu.dma_semaphore, #tpu.memory_space<semaphore_mem>>) src(%dma_wait3A_104 : memref<512xf32, #tpu.memory_space<hbm>>) dst(%arg69 : memref<512xf32, #tpu.memory_space<vmem>>)
    %dma_start3A_105 = arith.constant 0 : i32
    %dma_start3A_106 = tpu.memref_slice %arg29[%dma_start3A_105] : memref<1304576xf32, #tpu.memory_space<hbm>> -> memref<100352xf32, #tpu.memory_space<hbm>>
    %dma_start3A_107 = arith.constant 0 : i32
    %dma_start3A_108 = tpu.memref_slice %dma_start3A_106[%dma_start3A_107] : memref<100352xf32, #tpu.memory_space<hbm>> -> memref<100352xf32, #tpu.memory_space<hbm>>
    tpu.enqueue_indirect_dma source(%dma_start3A_108 : memref<100352xf32, #tpu.memory_space<hbm>>) target(%arg44 : memref<512xf32, #tpu.memory_space<vmem>>) offsets(%arg31 : memref<512xi32, #tpu.memory_space<vmem>>) semaphore(%arg73 : memref<!tpu.dma_semaphore, #tpu.memory_space<semaphore_mem>>)
    %dma_start3A_109 = arith.constant 100352 : i32
    %dma_start3A_110 = tpu.memref_slice %arg29[%dma_start3A_109] : memref<1304576xf32, #tpu.memory_space<hbm>> -> memref<100352xf32, #tpu.memory_space<hbm>>
    %dma_start3A_111 = arith.constant 0 : i32
    %dma_start3A_112 = tpu.memref_slice %dma_start3A_110[%dma_start3A_111] : memref<100352xf32, #tpu.memory_space<hbm>> -> memref<100352xf32, #tpu.memory_space<hbm>>
    tpu.enqueue_indirect_dma source(%dma_start3A_112 : memref<100352xf32, #tpu.memory_space<hbm>>) target(%arg45 : memref<512xf32, #tpu.memory_space<vmem>>) offsets(%arg32 : memref<512xi32, #tpu.memory_space<vmem>>) semaphore(%arg73 : memref<!tpu.dma_semaphore, #tpu.memory_space<semaphore_mem>>)
    %dma_start3A_113 = arith.constant 200704 : i32
    %dma_start3A_114 = tpu.memref_slice %arg29[%dma_start3A_113] : memref<1304576xf32, #tpu.memory_space<hbm>> -> memref<100352xf32, #tpu.memory_space<hbm>>
    %dma_start3A_115 = arith.constant 0 : i32
    %dma_start3A_116 = tpu.memref_slice %dma_start3A_114[%dma_start3A_115] : memref<100352xf32, #tpu.memory_space<hbm>> -> memref<100352xf32, #tpu.memory_space<hbm>>
    tpu.enqueue_indirect_dma source(%dma_start3A_116 : memref<100352xf32, #tpu.memory_space<hbm>>) target(%arg46 : memref<512xf32, #tpu.memory_space<vmem>>) offsets(%arg33 : memref<512xi32, #tpu.memory_space<vmem>>) semaphore(%arg73 : memref<!tpu.dma_semaphore, #tpu.memory_space<semaphore_mem>>)
    %dma_start3A_117 = arith.constant 301056 : i32
    %dma_start3A_118 = tpu.memref_slice %arg29[%dma_start3A_117] : memref<1304576xf32, #tpu.memory_space<hbm>> -> memref<100352xf32, #tpu.memory_space<hbm>>
    %dma_start3A_119 = arith.constant 0 : i32
    %dma_start3A_120 = tpu.memref_slice %dma_start3A_118[%dma_start3A_119] : memref<100352xf32, #tpu.memory_space<hbm>> -> memref<100352xf32, #tpu.memory_space<hbm>>
    tpu.enqueue_indirect_dma source(%dma_start3A_120 : memref<100352xf32, #tpu.memory_space<hbm>>) target(%arg47 : memref<512xf32, #tpu.memory_space<vmem>>) offsets(%arg34 : memref<512xi32, #tpu.memory_space<vmem>>) semaphore(%arg73 : memref<!tpu.dma_semaphore, #tpu.memory_space<semaphore_mem>>)
    %dma_start3A_121 = arith.constant 401408 : i32
    %dma_start3A_122 = tpu.memref_slice %arg29[%dma_start3A_121] : memref<1304576xf32, #tpu.memory_space<hbm>> -> memref<100352xf32, #tpu.memory_space<hbm>>
    %dma_start3A_123 = arith.constant 0 : i32
    %dma_start3A_124 = tpu.memref_slice %dma_start3A_122[%dma_start3A_123] : memref<100352xf32, #tpu.memory_space<hbm>> -> memref<100352xf32, #tpu.memory_space<hbm>>
    tpu.enqueue_indirect_dma source(%dma_start3A_124 : memref<100352xf32, #tpu.memory_space<hbm>>) target(%arg48 : memref<512xf32, #tpu.memory_space<vmem>>) offsets(%arg35 : memref<512xi32, #tpu.memory_space<vmem>>) semaphore(%arg73 : memref<!tpu.dma_semaphore, #tpu.memory_space<semaphore_mem>>)
    %dma_start3A_125 = arith.constant 501760 : i32
    %dma_start3A_126 = tpu.memref_slice %arg29[%dma_start3A_125] : memref<1304576xf32, #tpu.memory_space<hbm>> -> memref<100352xf32, #tpu.memory_space<hbm>>
    %dma_start3A_127 = arith.constant 0 : i32
    %dma_start3A_128 = tpu.memref_slice %dma_start3A_126[%dma_start3A_127] : memref<100352xf32, #tpu.memory_space<hbm>> -> memref<100352xf32, #tpu.memory_space<hbm>>
    tpu.enqueue_indirect_dma source(%dma_start3A_128 : memref<100352xf32, #tpu.memory_space<hbm>>) target(%arg49 : memref<512xf32, #tpu.memory_space<vmem>>) offsets(%arg36 : memref<512xi32, #tpu.memory_space<vmem>>) semaphore(%arg73 : memref<!tpu.dma_semaphore, #tpu.memory_space<semaphore_mem>>)
    %dma_start3A_129 = arith.constant 602112 : i32
    %dma_start3A_130 = tpu.memref_slice %arg29[%dma_start3A_129] : memref<1304576xf32, #tpu.memory_space<hbm>> -> memref<100352xf32, #tpu.memory_space<hbm>>
    %dma_start3A_131 = arith.constant 0 : i32
    %dma_start3A_132 = tpu.memref_slice %dma_start3A_130[%dma_start3A_131] : memref<100352xf32, #tpu.memory_space<hbm>> -> memref<100352xf32, #tpu.memory_space<hbm>>
    tpu.enqueue_indirect_dma source(%dma_start3A_132 : memref<100352xf32, #tpu.memory_space<hbm>>) target(%arg50 : memref<512xf32, #tpu.memory_space<vmem>>) offsets(%arg37 : memref<512xi32, #tpu.memory_space<vmem>>) semaphore(%arg73 : memref<!tpu.dma_semaphore, #tpu.memory_space<semaphore_mem>>)
    %dma_start3A_133 = arith.constant 702464 : i32
    %dma_start3A_134 = tpu.memref_slice %arg29[%dma_start3A_133] : memref<1304576xf32, #tpu.memory_space<hbm>> -> memref<100352xf32, #tpu.memory_space<hbm>>
    %dma_start3A_135 = arith.constant 0 : i32
    %dma_start3A_136 = tpu.memref_slice %dma_start3A_134[%dma_start3A_135] : memref<100352xf32, #tpu.memory_space<hbm>> -> memref<100352xf32, #tpu.memory_space<hbm>>
    tpu.enqueue_indirect_dma source(%dma_start3A_136 : memref<100352xf32, #tpu.memory_space<hbm>>) target(%arg51 : memref<512xf32, #tpu.memory_space<vmem>>) offsets(%arg38 : memref<512xi32, #tpu.memory_space<vmem>>) semaphore(%arg73 : memref<!tpu.dma_semaphore, #tpu.memory_space<semaphore_mem>>)
    %dma_start3A_137 = arith.constant 802816 : i32
    %dma_start3A_138 = tpu.memref_slice %arg29[%dma_start3A_137] : memref<1304576xf32, #tpu.memory_space<hbm>> -> memref<100352xf32, #tpu.memory_space<hbm>>
    %dma_start3A_139 = arith.constant 0 : i32
    %dma_start3A_140 = tpu.memref_slice %dma_start3A_138[%dma_start3A_139] : memref<100352xf32, #tpu.memory_space<hbm>> -> memref<100352xf32, #tpu.memory_space<hbm>>
    tpu.enqueue_indirect_dma source(%dma_start3A_140 : memref<100352xf32, #tpu.memory_space<hbm>>) target(%arg52 : memref<512xf32, #tpu.memory_space<vmem>>) offsets(%arg39 : memref<512xi32, #tpu.memory_space<vmem>>) semaphore(%arg73 : memref<!tpu.dma_semaphore, #tpu.memory_space<semaphore_mem>>)
    %dma_start3A_141 = arith.constant 903168 : i32
    %dma_start3A_142 = tpu.memref_slice %arg29[%dma_start3A_141] : memref<1304576xf32, #tpu.memory_space<hbm>> -> memref<100352xf32, #tpu.memory_space<hbm>>
    %dma_start3A_143 = arith.constant 0 : i32
    %dma_start3A_144 = tpu.memref_slice %dma_start3A_142[%dma_start3A_143] : memref<100352xf32, #tpu.memory_space<hbm>> -> memref<100352xf32, #tpu.memory_space<hbm>>
    tpu.enqueue_indirect_dma source(%dma_start3A_144 : memref<100352xf32, #tpu.memory_space<hbm>>) target(%arg53 : memref<512xf32, #tpu.memory_space<vmem>>) offsets(%arg40 : memref<512xi32, #tpu.memory_space<vmem>>) semaphore(%arg73 : memref<!tpu.dma_semaphore, #tpu.memory_space<semaphore_mem>>)
    %dma_start3A_145 = arith.constant 1003520 : i32
    %dma_start3A_146 = tpu.memref_slice %arg29[%dma_start3A_145] : memref<1304576xf32, #tpu.memory_space<hbm>> -> memref<100352xf32, #tpu.memory_space<hbm>>
    %dma_start3A_147 = arith.constant 0 : i32
    %dma_start3A_148 = tpu.memref_slice %dma_start3A_146[%dma_start3A_147] : memref<100352xf32, #tpu.memory_space<hbm>> -> memref<100352xf32, #tpu.memory_space<hbm>>
    tpu.enqueue_indirect_dma source(%dma_start3A_148 : memref<100352xf32, #tpu.memory_space<hbm>>) target(%arg54 : memref<512xf32, #tpu.memory_space<vmem>>) offsets(%arg41 : memref<512xi32, #tpu.memory_space<vmem>>) semaphore(%arg73 : memref<!tpu.dma_semaphore, #tpu.memory_space<semaphore_mem>>)
    %dma_start3A_149 = arith.constant 1103872 : i32
    %dma_start3A_150 = tpu.memref_slice %arg29[%dma_start3A_149] : memref<1304576xf32, #tpu.memory_space<hbm>> -> memref<100352xf32, #tpu.memory_space<hbm>>
    %dma_start3A_151 = arith.constant 0 : i32
    %dma_start3A_152 = tpu.memref_slice %dma_start3A_150[%dma_start3A_151] : memref<100352xf32, #tpu.memory_space<hbm>> -> memref<100352xf32, #tpu.memory_space<hbm>>
    tpu.enqueue_indirect_dma source(%dma_start3A_152 : memref<100352xf32, #tpu.memory_space<hbm>>) target(%arg55 : memref<512xf32, #tpu.memory_space<vmem>>) offsets(%arg42 : memref<512xi32, #tpu.memory_space<vmem>>) semaphore(%arg73 : memref<!tpu.dma_semaphore, #tpu.memory_space<semaphore_mem>>)
    %dma_start3A_153 = arith.constant 1204224 : i32
    %dma_start3A_154 = tpu.memref_slice %arg29[%dma_start3A_153] : memref<1304576xf32, #tpu.memory_space<hbm>> -> memref<100352xf32, #tpu.memory_space<hbm>>
    %dma_start3A_155 = arith.constant 0 : i32
    %dma_start3A_156 = tpu.memref_slice %dma_start3A_154[%dma_start3A_155] : memref<100352xf32, #tpu.memory_space<hbm>> -> memref<100352xf32, #tpu.memory_space<hbm>>
    tpu.enqueue_indirect_dma source(%dma_start3A_156 : memref<100352xf32, #tpu.memory_space<hbm>>) target(%arg56 : memref<512xf32, #tpu.memory_space<vmem>>) offsets(%arg43 : memref<512xi32, #tpu.memory_space<vmem>>) semaphore(%arg73 : memref<!tpu.dma_semaphore, #tpu.memory_space<semaphore_mem>>)
    %dma_wait3A_157 = arith.constant 0 : i32
    %dma_wait3A_158 = tpu.memref_slice %arg29[%dma_wait3A_157] : memref<1304576xf32, #tpu.memory_space<hbm>> -> memref<100352xf32, #tpu.memory_space<hbm>>
    %dma_wait3A_159 = arith.constant 0 : i32
    %dma_wait3A_160 = tpu.memref_slice %dma_wait3A_158[%dma_wait3A_159] : memref<100352xf32, #tpu.memory_space<hbm>> -> memref<100352xf32, #tpu.memory_space<hbm>>
    tpu.wait_indirect_dma semaphore(%arg73 : memref<!tpu.dma_semaphore, #tpu.memory_space<semaphore_mem>>) src(%dma_wait3A_160 : memref<100352xf32, #tpu.memory_space<hbm>>) dst(%arg44 : memref<512xf32, #tpu.memory_space<vmem>>)
    %dma_wait3A_161 = arith.constant 100352 : i32
    %dma_wait3A_162 = tpu.memref_slice %arg29[%dma_wait3A_161] : memref<1304576xf32, #tpu.memory_space<hbm>> -> memref<100352xf32, #tpu.memory_space<hbm>>
    %dma_wait3A_163 = arith.constant 0 : i32
    %dma_wait3A_164 = tpu.memref_slice %dma_wait3A_162[%dma_wait3A_163] : memref<100352xf32, #tpu.memory_space<hbm>> -> memref<100352xf32, #tpu.memory_space<hbm>>
    tpu.wait_indirect_dma semaphore(%arg73 : memref<!tpu.dma_semaphore, #tpu.memory_space<semaphore_mem>>) src(%dma_wait3A_164 : memref<100352xf32, #tpu.memory_space<hbm>>) dst(%arg45 : memref<512xf32, #tpu.memory_space<vmem>>)
    %dma_wait3A_165 = arith.constant 200704 : i32
    %dma_wait3A_166 = tpu.memref_slice %arg29[%dma_wait3A_165] : memref<1304576xf32, #tpu.memory_space<hbm>> -> memref<100352xf32, #tpu.memory_space<hbm>>
    %dma_wait3A_167 = arith.constant 0 : i32
    %dma_wait3A_168 = tpu.memref_slice %dma_wait3A_166[%dma_wait3A_167] : memref<100352xf32, #tpu.memory_space<hbm>> -> memref<100352xf32, #tpu.memory_space<hbm>>
    tpu.wait_indirect_dma semaphore(%arg73 : memref<!tpu.dma_semaphore, #tpu.memory_space<semaphore_mem>>) src(%dma_wait3A_168 : memref<100352xf32, #tpu.memory_space<hbm>>) dst(%arg46 : memref<512xf32, #tpu.memory_space<vmem>>)
    %dma_wait3A_169 = arith.constant 301056 : i32
    %dma_wait3A_170 = tpu.memref_slice %arg29[%dma_wait3A_169] : memref<1304576xf32, #tpu.memory_space<hbm>> -> memref<100352xf32, #tpu.memory_space<hbm>>
    %dma_wait3A_171 = arith.constant 0 : i32
    %dma_wait3A_172 = tpu.memref_slice %dma_wait3A_170[%dma_wait3A_171] : memref<100352xf32, #tpu.memory_space<hbm>> -> memref<100352xf32, #tpu.memory_space<hbm>>
    tpu.wait_indirect_dma semaphore(%arg73 : memref<!tpu.dma_semaphore, #tpu.memory_space<semaphore_mem>>) src(%dma_wait3A_172 : memref<100352xf32, #tpu.memory_space<hbm>>) dst(%arg47 : memref<512xf32, #tpu.memory_space<vmem>>)
    %dma_wait3A_173 = arith.constant 401408 : i32
    %dma_wait3A_174 = tpu.memref_slice %arg29[%dma_wait3A_173] : memref<1304576xf32, #tpu.memory_space<hbm>> -> memref<100352xf32, #tpu.memory_space<hbm>>
    %dma_wait3A_175 = arith.constant 0 : i32
    %dma_wait3A_176 = tpu.memref_slice %dma_wait3A_174[%dma_wait3A_175] : memref<100352xf32, #tpu.memory_space<hbm>> -> memref<100352xf32, #tpu.memory_space<hbm>>
    tpu.wait_indirect_dma semaphore(%arg73 : memref<!tpu.dma_semaphore, #tpu.memory_space<semaphore_mem>>) src(%dma_wait3A_176 : memref<100352xf32, #tpu.memory_space<hbm>>) dst(%arg48 : memref<512xf32, #tpu.memory_space<vmem>>)
    %dma_wait3A_177 = arith.constant 501760 : i32
    %dma_wait3A_178 = tpu.memref_slice %arg29[%dma_wait3A_177] : memref<1304576xf32, #tpu.memory_space<hbm>> -> memref<100352xf32, #tpu.memory_space<hbm>>
    %dma_wait3A_179 = arith.constant 0 : i32
    %dma_wait3A_180 = tpu.memref_slice %dma_wait3A_178[%dma_wait3A_179] : memref<100352xf32, #tpu.memory_space<hbm>> -> memref<100352xf32, #tpu.memory_space<hbm>>
    tpu.wait_indirect_dma semaphore(%arg73 : memref<!tpu.dma_semaphore, #tpu.memory_space<semaphore_mem>>) src(%dma_wait3A_180 : memref<100352xf32, #tpu.memory_space<hbm>>) dst(%arg49 : memref<512xf32, #tpu.memory_space<vmem>>)
    %dma_wait3A_181 = arith.constant 602112 : i32
    %dma_wait3A_182 = tpu.memref_slice %arg29[%dma_wait3A_181] : memref<1304576xf32, #tpu.memory_space<hbm>> -> memref<100352xf32, #tpu.memory_space<hbm>>
    %dma_wait3A_183 = arith.constant 0 : i32
    %dma_wait3A_184 = tpu.memref_slice %dma_wait3A_182[%dma_wait3A_183] : memref<100352xf32, #tpu.memory_space<hbm>> -> memref<100352xf32, #tpu.memory_space<hbm>>
    tpu.wait_indirect_dma semaphore(%arg73 : memref<!tpu.dma_semaphore, #tpu.memory_space<semaphore_mem>>) src(%dma_wait3A_184 : memref<100352xf32, #tpu.memory_space<hbm>>) dst(%arg50 : memref<512xf32, #tpu.memory_space<vmem>>)
    %dma_wait3A_185 = arith.constant 702464 : i32
    %dma_wait3A_186 = tpu.memref_slice %arg29[%dma_wait3A_185] : memref<1304576xf32, #tpu.memory_space<hbm>> -> memref<100352xf32, #tpu.memory_space<hbm>>
    %dma_wait3A_187 = arith.constant 0 : i32
    %dma_wait3A_188 = tpu.memref_slice %dma_wait3A_186[%dma_wait3A_187] : memref<100352xf32, #tpu.memory_space<hbm>> -> memref<100352xf32, #tpu.memory_space<hbm>>
    tpu.wait_indirect_dma semaphore(%arg73 : memref<!tpu.dma_semaphore, #tpu.memory_space<semaphore_mem>>) src(%dma_wait3A_188 : memref<100352xf32, #tpu.memory_space<hbm>>) dst(%arg51 : memref<512xf32, #tpu.memory_space<vmem>>)
    %dma_wait3A_189 = arith.constant 802816 : i32
    %dma_wait3A_190 = tpu.memref_slice %arg29[%dma_wait3A_189] : memref<1304576xf32, #tpu.memory_space<hbm>> -> memref<100352xf32, #tpu.memory_space<hbm>>
    %dma_wait3A_191 = arith.constant 0 : i32
    %dma_wait3A_192 = tpu.memref_slice %dma_wait3A_190[%dma_wait3A_191] : memref<100352xf32, #tpu.memory_space<hbm>> -> memref<100352xf32, #tpu.memory_space<hbm>>
    tpu.wait_indirect_dma semaphore(%arg73 : memref<!tpu.dma_semaphore, #tpu.memory_space<semaphore_mem>>) src(%dma_wait3A_192 : memref<100352xf32, #tpu.memory_space<hbm>>) dst(%arg52 : memref<512xf32, #tpu.memory_space<vmem>>)
    %dma_wait3A_193 = arith.constant 903168 : i32
    %dma_wait3A_194 = tpu.memref_slice %arg29[%dma_wait3A_193] : memref<1304576xf32, #tpu.memory_space<hbm>> -> memref<100352xf32, #tpu.memory_space<hbm>>
    %dma_wait3A_195 = arith.constant 0 : i32
    %dma_wait3A_196 = tpu.memref_slice %dma_wait3A_194[%dma_wait3A_195] : memref<100352xf32, #tpu.memory_space<hbm>> -> memref<100352xf32, #tpu.memory_space<hbm>>
    tpu.wait_indirect_dma semaphore(%arg73 : memref<!tpu.dma_semaphore, #tpu.memory_space<semaphore_mem>>) src(%dma_wait3A_196 : memref<100352xf32, #tpu.memory_space<hbm>>) dst(%arg53 : memref<512xf32, #tpu.memory_space<vmem>>)
    %dma_wait3A_197 = arith.constant 1003520 : i32
    %dma_wait3A_198 = tpu.memref_slice %arg29[%dma_wait3A_197] : memref<1304576xf32, #tpu.memory_space<hbm>> -> memref<100352xf32, #tpu.memory_space<hbm>>
    %dma_wait3A_199 = arith.constant 0 : i32
    %dma_wait3A_200 = tpu.memref_slice %dma_wait3A_198[%dma_wait3A_199] : memref<100352xf32, #tpu.memory_space<hbm>> -> memref<100352xf32, #tpu.memory_space<hbm>>
    tpu.wait_indirect_dma semaphore(%arg73 : memref<!tpu.dma_semaphore, #tpu.memory_space<semaphore_mem>>) src(%dma_wait3A_200 : memref<100352xf32, #tpu.memory_space<hbm>>) dst(%arg54 : memref<512xf32, #tpu.memory_space<vmem>>)
    %dma_wait3A_201 = arith.constant 1103872 : i32
    %dma_wait3A_202 = tpu.memref_slice %arg29[%dma_wait3A_201] : memref<1304576xf32, #tpu.memory_space<hbm>> -> memref<100352xf32, #tpu.memory_space<hbm>>
    %dma_wait3A_203 = arith.constant 0 : i32
    %dma_wait3A_204 = tpu.memref_slice %dma_wait3A_202[%dma_wait3A_203] : memref<100352xf32, #tpu.memory_space<hbm>> -> memref<100352xf32, #tpu.memory_space<hbm>>
    tpu.wait_indirect_dma semaphore(%arg73 : memref<!tpu.dma_semaphore, #tpu.memory_space<semaphore_mem>>) src(%dma_wait3A_204 : memref<100352xf32, #tpu.memory_space<hbm>>) dst(%arg55 : memref<512xf32, #tpu.memory_space<vmem>>)
    %dma_wait3A_205 = arith.constant 1204224 : i32
    %dma_wait3A_206 = tpu.memref_slice %arg29[%dma_wait3A_205] : memref<1304576xf32, #tpu.memory_space<hbm>> -> memref<100352xf32, #tpu.memory_space<hbm>>
    %dma_wait3A_207 = arith.constant 0 : i32
    %dma_wait3A_208 = tpu.memref_slice %dma_wait3A_206[%dma_wait3A_207] : memref<100352xf32, #tpu.memory_space<hbm>> -> memref<100352xf32, #tpu.memory_space<hbm>>
    tpu.wait_indirect_dma semaphore(%arg73 : memref<!tpu.dma_semaphore, #tpu.memory_space<semaphore_mem>>) src(%dma_wait3A_208 : memref<100352xf32, #tpu.memory_space<hbm>>) dst(%arg56 : memref<512xf32, #tpu.memory_space<vmem>>)
    %scan3A = arith.constant 0 : i32
    %scan3A_209 = arith.constant 32 : i32
    %scan3A_210 = arith.addi %scan3A, %scan3A_209 : i32
    %scan3A_211 = arith.constant 1 : i32
    scf.for %scan3A_213 = %scan3A to %scan3A_210 step %scan3A_211  : i32 {
      %mul3A_214 = arith.constant 16 : i32
      %mul3A_215 = arith.muli %scan3A_213, %mul3A_214 : i32
      %get3A = arith.index_cast %mul3A_215 : i32 to index
      %get3A_216 = tpu.vector_load %arg44[%get3A] {strides = array<i32>} : memref<512xf32, #tpu.memory_space<vmem>>, vector<16xf32>,
      %get3A_217 = vector.shape_cast %get3A_216 : vector<16xf32> to vector<16xf32>
      %get3A_218 = arith.index_cast %mul3A_215 : i32 to index
      %get3A_219 = tpu.vector_load %arg45[%get3A_218] {strides = array<i32>} : memref<512xf32, #tpu.memory_space<vmem>>, vector<16xf32>,
      %get3A_220 = vector.shape_cast %get3A_219 : vector<16xf32> to vector<16xf32>
      %add3A_221 = arith.addf %get3A_217, %get3A_220 : vector<16xf32>
      %get3A_222 = arith.index_cast %mul3A_215 : i32 to index
      %get3A_223 = tpu.vector_load %arg46[%get3A_222] {strides = array<i32>} : memref<512xf32, #tpu.memory_space<vmem>>, vector<16xf32>,
      %get3A_224 = vector.shape_cast %get3A_223 : vector<16xf32> to vector<16xf32>
      %add3A_225 = arith.addf %add3A_221, %get3A_224 : vector<16xf32>
      %get3A_226 = arith.index_cast %mul3A_215 : i32 to index
      %get3A_227 = tpu.vector_load %arg47[%get3A_226] {strides = array<i32>} : memref<512xf32, #tpu.memory_space<vmem>>, vector<16xf32>,
      %get3A_228 = vector.shape_cast %get3A_227 : vector<16xf32> to vector<16xf32>
      %add3A_229 = arith.addf %add3A_225, %get3A_228 : vector<16xf32>
      %get3A_230 = arith.index_cast %mul3A_215 : i32 to index
      %get3A_231 = tpu.vector_load %arg48[%get3A_230] {strides = array<i32>} : memref<512xf32, #tpu.memory_space<vmem>>, vector<16xf32>,
      %get3A_232 = vector.shape_cast %get3A_231 : vector<16xf32> to vector<16xf32>
      %add3A_233 = arith.addf %add3A_229, %get3A_232 : vector<16xf32>
      %get3A_234 = arith.index_cast %mul3A_215 : i32 to index
      %get3A_235 = tpu.vector_load %arg49[%get3A_234] {strides = array<i32>} : memref<512xf32, #tpu.memory_space<vmem>>, vector<16xf32>,
      %get3A_236 = vector.shape_cast %get3A_235 : vector<16xf32> to vector<16xf32>
      %add3A_237 = arith.addf %add3A_233, %get3A_236 : vector<16xf32>
      %get3A_238 = arith.index_cast %mul3A_215 : i32 to index
      %get3A_239 = tpu.vector_load %arg50[%get3A_238] {strides = array<i32>} : memref<512xf32, #tpu.memory_space<vmem>>, vector<16xf32>,
      %get3A_240 = vector.shape_cast %get3A_239 : vector<16xf32> to vector<16xf32>
      %add3A_241 = arith.addf %add3A_237, %get3A_240 : vector<16xf32>
      %get3A_242 = arith.index_cast %mul3A_215 : i32 to index
      %get3A_243 = tpu.vector_load %arg51[%get3A_242] {strides = array<i32>} : memref<512xf32, #tpu.memory_space<vmem>>, vector<16xf32>,
      %get3A_244 = vector.shape_cast %get3A_243 : vector<16xf32> to vector<16xf32>
      %add3A_245 = arith.addf %add3A_241, %get3A_244 : vector<16xf32>
      %get3A_246 = arith.index_cast %mul3A_215 : i32 to index
      %get3A_247 = tpu.vector_load %arg52[%get3A_246] {strides = array<i32>} : memref<512xf32, #tpu.memory_space<vmem>>, vector<16xf32>,
      %get3A_248 = vector.shape_cast %get3A_247 : vector<16xf32> to vector<16xf32>
      %add3A_249 = arith.addf %add3A_245, %get3A_248 : vector<16xf32>
      %get3A_250 = arith.index_cast %mul3A_215 : i32 to index
      %get3A_251 = tpu.vector_load %arg53[%get3A_250] {strides = array<i32>} : memref<512xf32, #tpu.memory_space<vmem>>, vector<16xf32>,
      %get3A_252 = vector.shape_cast %get3A_251 : vector<16xf32> to vector<16xf32>
      %add3A_253 = arith.addf %add3A_249, %get3A_252 : vector<16xf32>
      %get3A_254 = arith.index_cast %mul3A_215 : i32 to index
      %get3A_255 = tpu.vector_load %arg54[%get3A_254] {strides = array<i32>} : memref<512xf32, #tpu.memory_space<vmem>>, vector<16xf32>,
      %get3A_256 = vector.shape_cast %get3A_255 : vector<16xf32> to vector<16xf32>
      %add3A_257 = arith.addf %add3A_253, %get3A_256 : vector<16xf32>
      %get3A_258 = arith.index_cast %mul3A_215 : i32 to index
      %get3A_259 = tpu.vector_load %arg55[%get3A_258] {strides = array<i32>} : memref<512xf32, #tpu.memory_space<vmem>>, vector<16xf32>,
      %get3A_260 = vector.shape_cast %get3A_259 : vector<16xf32> to vector<16xf32>
      %add3A_261 = arith.addf %add3A_257, %get3A_260 : vector<16xf32>
      %get3A_262 = arith.index_cast %mul3A_215 : i32 to index
      %get3A_263 = tpu.vector_load %arg56[%get3A_262] {strides = array<i32>} : memref<512xf32, #tpu.memory_space<vmem>>, vector<16xf32>,
      %get3A_264 = vector.shape_cast %get3A_263 : vector<16xf32> to vector<16xf32>
      %add3A_265 = arith.addf %add3A_261, %get3A_264 : vector<16xf32>
      %get3A_266 = arith.index_cast %mul3A_215 : i32 to index
      %get3A_267 = tpu.vector_load %arg57[%get3A_266] {strides = array<i32>} : memref<512xf32, #tpu.memory_space<vmem>>, vector<16xf32>,
      %get3A_268 = vector.shape_cast %get3A_267 : vector<16xf32> to vector<16xf32>
      %get3A_269 = arith.constant 0 : i32
      %get3A_270 = arith.index_cast %get3A_269 : i32 to index
      %get3A_271 = arith.constant 0 : index
      %get3A_272 = tpu.vector_load %arg70[%get3A_270, %get3A_271] {strides = array<i32>} : memref<13x16xf32, #tpu.memory_space<vmem>>, vector<1x16xf32>,
      %get3A_273 = vector.shape_cast %get3A_272 : vector<1x16xf32> to vector<16xf32>
      %mul3A_274 = arith.mulf %get3A_268, %get3A_273 : vector<16xf32>
      %add3A_275 = arith.addf %add3A_265, %mul3A_274 : vector<16xf32>
      %get3A_276 = arith.index_cast %mul3A_215 : i32 to index
      %get3A_277 = tpu.vector_load %arg58[%get3A_276] {strides = array<i32>} : memref<512xf32, #tpu.memory_space<vmem>>, vector<16xf32>,
      %get3A_278 = vector.shape_cast %get3A_277 : vector<16xf32> to vector<16xf32>
      %get3A_279 = arith.constant 1 : i32
      %get3A_280 = arith.index_cast %get3A_279 : i32 to index
      %get3A_281 = arith.constant 0 : index
      %get3A_282 = tpu.vector_load %arg70[%get3A_280, %get3A_281] {strides = array<i32>} : memref<13x16xf32, #tpu.memory_space<vmem>>, vector<1x16xf32>,
      %get3A_283 = vector.shape_cast %get3A_282 : vector<1x16xf32> to vector<16xf32>
      %mul3A_284 = arith.mulf %get3A_278, %get3A_283 : vector<16xf32>
      %add3A_285 = arith.addf %add3A_275, %mul3A_284 : vector<16xf32>
      %get3A_286 = arith.index_cast %mul3A_215 : i32 to index
      %get3A_287 = tpu.vector_load %arg59[%get3A_286] {strides = array<i32>} : memref<512xf32, #tpu.memory_space<vmem>>, vector<16xf32>,
      %get3A_288 = vector.shape_cast %get3A_287 : vector<16xf32> to vector<16xf32>
      %get3A_289 = arith.constant 2 : i32
      %get3A_290 = arith.index_cast %get3A_289 : i32 to index
      %get3A_291 = arith.constant 0 : index
      %get3A_292 = tpu.vector_load %arg70[%get3A_290, %get3A_291] {strides = array<i32>} : memref<13x16xf32, #tpu.memory_space<vmem>>, vector<1x16xf32>,
      %get3A_293 = vector.shape_cast %get3A_292 : vector<1x16xf32> to vector<16xf32>
      %mul3A_294 = arith.mulf %get3A_288, %get3A_293 : vector<16xf32>
      %add3A_295 = arith.addf %add3A_285, %mul3A_294 : vector<16xf32>
      %get3A_296 = arith.index_cast %mul3A_215 : i32 to index
      %get3A_297 = tpu.vector_load %arg60[%get3A_296] {strides = array<i32>} : memref<512xf32, #tpu.memory_space<vmem>>, vector<16xf32>,
      %get3A_298 = vector.shape_cast %get3A_297 : vector<16xf32> to vector<16xf32>
      %get3A_299 = arith.constant 3 : i32
      %get3A_300 = arith.index_cast %get3A_299 : i32 to index
      %get3A_301 = arith.constant 0 : index
      %get3A_302 = tpu.vector_load %arg70[%get3A_300, %get3A_301] {strides = array<i32>} : memref<13x16xf32, #tpu.memory_space<vmem>>, vector<1x16xf32>,
      %get3A_303 = vector.shape_cast %get3A_302 : vector<1x16xf32> to vector<16xf32>
      %mul3A_304 = arith.mulf %get3A_298, %get3A_303 : vector<16xf32>
      %add3A_305 = arith.addf %add3A_295, %mul3A_304 : vector<16xf32>
      %get3A_306 = arith.index_cast %mul3A_215 : i32 to index
      %get3A_307 = tpu.vector_load %arg61[%get3A_306] {strides = array<i32>} : memref<512xf32, #tpu.memory_space<vmem>>, vector<16xf32>,
      %get3A_308 = vector.shape_cast %get3A_307 : vector<16xf32> to vector<16xf32>
      %get3A_309 = arith.constant 4 : i32
      %get3A_310 = arith.index_cast %get3A_309 : i32 to index
      %get3A_311 = arith.constant 0 : index
      %get3A_312 = tpu.vector_load %arg70[%get3A_310, %get3A_311] {strides = array<i32>} : memref<13x16xf32, #tpu.memory_space<vmem>>, vector<1x16xf32>,
      %get3A_313 = vector.shape_cast %get3A_312 : vector<1x16xf32> to vector<16xf32>
      %mul3A_314 = arith.mulf %get3A_308, %get3A_313 : vector<16xf32>
      %add3A_315 = arith.addf %add3A_305, %mul3A_314 : vector<16xf32>
      %get3A_316 = arith.index_cast %mul3A_215 : i32 to index
      %get3A_317 = tpu.vector_load %arg62[%get3A_316] {strides = array<i32>} : memref<512xf32, #tpu.memory_space<vmem>>, vector<16xf32>,
      %get3A_318 = vector.shape_cast %get3A_317 : vector<16xf32> to vector<16xf32>
      %get3A_319 = arith.constant 5 : i32
      %get3A_320 = arith.index_cast %get3A_319 : i32 to index
      %get3A_321 = arith.constant 0 : index
      %get3A_322 = tpu.vector_load %arg70[%get3A_320, %get3A_321] {strides = array<i32>} : memref<13x16xf32, #tpu.memory_space<vmem>>, vector<1x16xf32>,
      %get3A_323 = vector.shape_cast %get3A_322 : vector<1x16xf32> to vector<16xf32>
      %mul3A_324 = arith.mulf %get3A_318, %get3A_323 : vector<16xf32>
      %add3A_325 = arith.addf %add3A_315, %mul3A_324 : vector<16xf32>
      %get3A_326 = arith.index_cast %mul3A_215 : i32 to index
      %get3A_327 = tpu.vector_load %arg63[%get3A_326] {strides = array<i32>} : memref<512xf32, #tpu.memory_space<vmem>>, vector<16xf32>,
      %get3A_328 = vector.shape_cast %get3A_327 : vector<16xf32> to vector<16xf32>
      %get3A_329 = arith.constant 6 : i32
      %get3A_330 = arith.index_cast %get3A_329 : i32 to index
      %get3A_331 = arith.constant 0 : index
      %get3A_332 = tpu.vector_load %arg70[%get3A_330, %get3A_331] {strides = array<i32>} : memref<13x16xf32, #tpu.memory_space<vmem>>, vector<1x16xf32>,
      %get3A_333 = vector.shape_cast %get3A_332 : vector<1x16xf32> to vector<16xf32>
      %mul3A_334 = arith.mulf %get3A_328, %get3A_333 : vector<16xf32>
      %add3A_335 = arith.addf %add3A_325, %mul3A_334 : vector<16xf32>
      %get3A_336 = arith.index_cast %mul3A_215 : i32 to index
      %get3A_337 = tpu.vector_load %arg64[%get3A_336] {strides = array<i32>} : memref<512xf32, #tpu.memory_space<vmem>>, vector<16xf32>,
      %get3A_338 = vector.shape_cast %get3A_337 : vector<16xf32> to vector<16xf32>
      %get3A_339 = arith.constant 7 : i32
      %get3A_340 = arith.index_cast %get3A_339 : i32 to index
      %get3A_341 = arith.constant 0 : index
      %get3A_342 = tpu.vector_load %arg70[%get3A_340, %get3A_341] {strides = array<i32>} : memref<13x16xf32, #tpu.memory_space<vmem>>, vector<1x16xf32>,
      %get3A_343 = vector.shape_cast %get3A_342 : vector<1x16xf32> to vector<16xf32>
      %mul3A_344 = arith.mulf %get3A_338, %get3A_343 : vector<16xf32>
      %add3A_345 = arith.addf %add3A_335, %mul3A_344 : vector<16xf32>
      %get3A_346 = arith.index_cast %mul3A_215 : i32 to index
      %get3A_347 = tpu.vector_load %arg65[%get3A_346] {strides = array<i32>} : memref<512xf32, #tpu.memory_space<vmem>>, vector<16xf32>,
      %get3A_348 = vector.shape_cast %get3A_347 : vector<16xf32> to vector<16xf32>
      %get3A_349 = arith.constant 8 : i32
      %get3A_350 = arith.index_cast %get3A_349 : i32 to index
      %get3A_351 = arith.constant 0 : index
      %get3A_352 = tpu.vector_load %arg70[%get3A_350, %get3A_351] {strides = array<i32>} : memref<13x16xf32, #tpu.memory_space<vmem>>, vector<1x16xf32>,
      %get3A_353 = vector.shape_cast %get3A_352 : vector<1x16xf32> to vector<16xf32>
      %mul3A_354 = arith.mulf %get3A_348, %get3A_353 : vector<16xf32>
      %add3A_355 = arith.addf %add3A_345, %mul3A_354 : vector<16xf32>
      %get3A_356 = arith.index_cast %mul3A_215 : i32 to index
      %get3A_357 = tpu.vector_load %arg66[%get3A_356] {strides = array<i32>} : memref<512xf32, #tpu.memory_space<vmem>>, vector<16xf32>,
      %get3A_358 = vector.shape_cast %get3A_357 : vector<16xf32> to vector<16xf32>
      %get3A_359 = arith.constant 9 : i32
      %get3A_360 = arith.index_cast %get3A_359 : i32 to index
      %get3A_361 = arith.constant 0 : index
      %get3A_362 = tpu.vector_load %arg70[%get3A_360, %get3A_361] {strides = array<i32>} : memref<13x16xf32, #tpu.memory_space<vmem>>, vector<1x16xf32>,
      %get3A_363 = vector.shape_cast %get3A_362 : vector<1x16xf32> to vector<16xf32>
      %mul3A_364 = arith.mulf %get3A_358, %get3A_363 : vector<16xf32>
      %add3A_365 = arith.addf %add3A_355, %mul3A_364 : vector<16xf32>
      %get3A_366 = arith.index_cast %mul3A_215 : i32 to index
      %get3A_367 = tpu.vector_load %arg67[%get3A_366] {strides = array<i32>} : memref<512xf32, #tpu.memory_space<vmem>>, vector<16xf32>,
      %get3A_368 = vector.shape_cast %get3A_367 : vector<16xf32> to vector<16xf32>
      %get3A_369 = arith.constant 10 : i32
      %get3A_370 = arith.index_cast %get3A_369 : i32 to index
      %get3A_371 = arith.constant 0 : index
      %get3A_372 = tpu.vector_load %arg70[%get3A_370, %get3A_371] {strides = array<i32>} : memref<13x16xf32, #tpu.memory_space<vmem>>, vector<1x16xf32>,
      %get3A_373 = vector.shape_cast %get3A_372 : vector<1x16xf32> to vector<16xf32>
      %mul3A_374 = arith.mulf %get3A_368, %get3A_373 : vector<16xf32>
      %add3A_375 = arith.addf %add3A_365, %mul3A_374 : vector<16xf32>
      %get3A_376 = arith.index_cast %mul3A_215 : i32 to index
      %get3A_377 = tpu.vector_load %arg68[%get3A_376] {strides = array<i32>} : memref<512xf32, #tpu.memory_space<vmem>>, vector<16xf32>,
      %get3A_378 = vector.shape_cast %get3A_377 : vector<16xf32> to vector<16xf32>
      %get3A_379 = arith.constant 11 : i32
      %get3A_380 = arith.index_cast %get3A_379 : i32 to index
      %get3A_381 = arith.constant 0 : index
      %get3A_382 = tpu.vector_load %arg70[%get3A_380, %get3A_381] {strides = array<i32>} : memref<13x16xf32, #tpu.memory_space<vmem>>, vector<1x16xf32>,
      %get3A_383 = vector.shape_cast %get3A_382 : vector<1x16xf32> to vector<16xf32>
      %mul3A_384 = arith.mulf %get3A_378, %get3A_383 : vector<16xf32>
      %add3A_385 = arith.addf %add3A_375, %mul3A_384 : vector<16xf32>
      %get3A_386 = arith.index_cast %mul3A_215 : i32 to index
      %get3A_387 = tpu.vector_load %arg69[%get3A_386] {strides = array<i32>} : memref<512xf32, #tpu.memory_space<vmem>>, vector<16xf32>,
      %get3A_388 = vector.shape_cast %get3A_387 : vector<16xf32> to vector<16xf32>
      %get3A_389 = arith.constant 12 : i32
      %get3A_390 = arith.index_cast %get3A_389 : i32 to index
      %get3A_391 = arith.constant 0 : index
      %get3A_392 = tpu.vector_load %arg70[%get3A_390, %get3A_391] {strides = array<i32>} : memref<13x16xf32, #tpu.memory_space<vmem>>, vector<1x16xf32>,
      %get3A_393 = vector.shape_cast %get3A_392 : vector<1x16xf32> to vector<16xf32>
      %mul3A_394 = arith.mulf %get3A_388, %get3A_393 : vector<16xf32>
      %add3A_395 = arith.addf %add3A_385, %mul3A_394 : vector<16xf32>
      %swap3A = arith.index_cast %mul3A_215 : i32 to index
      %swap3A_396 = tpu.vector_load %arg71[%swap3A] {strides = array<i32>} : memref<512xf32, #tpu.memory_space<vmem>>, vector<16xf32>,
      %swap3A_397 = vector.shape_cast %swap3A_396 : vector<16xf32> to vector<16xf32>
      %swap3A_398 = vector.shape_cast %add3A_395 : vector<16xf32> to vector<16xf32>
      tpu.vector_store %arg71[%swap3A], %swap3A_398 {strides = array<i32>} : memref<512xf32, #tpu.memory_space<vmem>>, vector<16xf32>,
    }
    %scan3A_212 = arith.constant 32 : i32
    "tpu.region"() ({
      %run_scoped3A = tpu.sem_alloc : memref<!tpu.dma_semaphore, #tpu.memory_space<semaphore_mem>>
      %dma_start3A_213 = tpu.memref_slice %arg30[%mul3A_2] : memref<16384xf32, #tpu.memory_space<hbm>> -> memref<512xf32, #tpu.memory_space<hbm>>
      %dma_start3A_214 = tpu.memref_slice %arg30[%mul3A_2] : memref<16384xf32, #tpu.memory_space<hbm>> -> memref<512xf32, #tpu.memory_space<hbm>>
      tpu.enqueue_dma source(%arg71 : memref<512xf32, #tpu.memory_space<vmem>>) target(%dma_start3A_214 : memref<512xf32, #tpu.memory_space<hbm>>) target_semaphore(%run_scoped3A : memref<!tpu.dma_semaphore, #tpu.memory_space<semaphore_mem>>)
      %dma_wait3A_215 = tpu.memref_slice %arg30[%mul3A_2] : memref<16384xf32, #tpu.memory_space<hbm>> -> memref<512xf32, #tpu.memory_space<hbm>>
      %dma_wait3A_216 = tpu.memref_slice %arg30[%mul3A_2] : memref<16384xf32, #tpu.memory_space<hbm>> -> memref<512xf32, #tpu.memory_space<hbm>>
      tpu.wait_dma2 semaphore(%run_scoped3A : memref<!tpu.dma_semaphore, #tpu.memory_space<semaphore_mem>>) src(%arg71 : memref<512xf32, #tpu.memory_space<vmem>>) dst(%dma_wait3A_216 : memref<512xf32, #tpu.memory_space<hbm>>)
      tpu.yield
    }) : () -> ()
    return
  }
}

</mosaic_0001>

<sc_bundles>
// kernel: kernel.4.cloned.1.call-start
scs
__scs_entry_jumppad:
0x0: {  	(pc) =	sbr.rel $0x88, $3  }
0x1: {  	(tag) =	ssettag $0x0;
	lr =	simm.s32 $0x1  }
0x2: {  	[smem:$0x3F5F] =	sst lr;
	_ =	strace $0xD0000000  }
0x3: {  	_ = 	snop  }
0x4: {  	_ = 	snop  }
0x5: {  	_ = 	snop  }
0x6: {  	_ = 	snop  }
0x7: {  	_ = 	snop  }
__scs_overlays_trampoline_lowered:
0x8: {  	[smem:$0x3F6E] =	sst s0  }
0x9: {  	[smem:$0x3F6F] =	sst s1  }
0xa: {  	[smem:$0x3F70] =	sst s2  }
0xb: {  	[smem:$0x3F71] =	sst s3  }
0xc: {  	[smem:$0x3F72] =	sst s4  }
0xd: {  	[smem:$0x3F73] =	sst s5  }
0xe: {  	[smem:$0x3F74] =	sst s6  }
0xf: {  	[smem:$0x3F75] =	sst s7  }
0x10: {  	[smem:$0x3F76] =	sst s8  }
0x11: {  	[smem:$0x3F77] =	sst s9;
	s0 =	simm.s32 @!p0 $0x0  }
0x12: {  	s1 =	sld [smem:$0x3F5D];
	s0 =	simm.s32 @p0 $0x1  }
0x13: {  	[smem:$0x3F78] =	sst s0;
	s0 =	simm.s32 @!p1 $0x0  }
0x14: {  	s2 =	sld [smem:$0x3F5C];
	s0 =	simm.s32 @p1 $0x1  }
0x15: {  	[smem:$0x3F79] =	sst s0;
	s0 =	simm.s32 @!p2 $0x0  }
0x16: {  	s3 =	sld [smem:$0x3FDB];
	s0 =	simm.s32 @p2 $0x1  }
0x17: {  	s4 =	simm.s32 $0x1BF5;
	[smem:$0x3F7B] =	sst s0  }
0x18: {  	s0 =	sld [smem:$0x3F5E];
	_ =	swait.ge [sflag:s4], $0x0  }
0x19: {  	s7 =	sld [smem:$0x3F5F]  }
0x1a: {  	s8 =	sadd.s32 $0xFFFFE003, lr  }
0x1b: {  	s9 =	sadd.s32 $0xFFFFFEF7, lr;
	s5 =	simm.s32 $0xFFFFFFFF;
	p2 =	slt.u32 s8, $0xFFFFF086  }
0x1c: {  	p1 =	slt.u32 s9, $0xF7A;
	s5 =	simm.s32 @!p2 $0x0  }
0x1d: {  	s5 =	simm.s32 @p1 $0x1;
	p0 =	seq.s32 s7, s2  }
0x1e: {  	s7 =	smul.u32 @!p0 $0xF7A, s2;
	p2 =	seq.s32 @!p0 s5, $0x0  }
0x1f: {  	s9 =	smul.u32 $0xF7A, s1;
	s8 =	simm.s32 @!p0 $0x1BF5;
	p2 =	por !p2, p0  }
0x20: {  	[sflag:s8] =	ssyncset.s32 @!p0 $0xFFFFF086;
	s6 =	sadd.s32 @!p0 s3, s7;
	s7 =	simm.s32 @!p0 $0x108  }
0x21: {  	s3 =	sadd.s32 s3, s9;
	s6 =	sadd.s32 @!p0 $0x88, s6;
	s7 =	simm.s32 @p2 $0x1082  }
0x22: {  	[simem:s7], [sflag:s8] =	dma.local @!p0 [hbm:s6], $0xF7A  }
0x23: {  	s9 =	sor.u32 $0xD0000000, s2;
	s6 =	simm.s32 $0x108;
	_ =	swait.ge @!p0 [sflag:s8], $0x0  }
0x24: {  	s3 =	sadd.s32 $0x88, s3;
	s6 =	simm.s32 @!p1 $0x1082;
	[sflag:s4] =	ssyncset.s32 $0xFFFFF086  }
0x25: {  	[simem:s6], [sflag:s4] =	dma.local [hbm:s3], $0xF7A  }
0x26: {  	[smem:$0x3F5F] =	sst s1;
	(tag) =	ssettag s2;
	_ =	strace s9  }
0x27: {  	s1 =	sld [smem:$0x3F6F]  }
0x28: {  	s2 =	sld [smem:$0x3F70]  }
0x29: {  	s4 =	sld [smem:$0x3F72]  }
0x2a: {  	p0 =	seq.s32 s5, $0x0;
	s5 =	sld [smem:$0x3F73]  }
0x2b: {  	s6 =	sld [smem:$0x3F74]  }
0x2c: {  	s7 =	sld [smem:$0x3F75]  }
0x2d: {  	s3 =	simm.s32 $0x108;
	s8 =	sld [smem:$0x3F76]  }
0x2e: {  	s3 =	simm.s32 @!p0 $0x1082;
	s9 =	sld [smem:$0x3F77]  }
0x2f: {  	lr =	sadd.s32 s0, s3;
	s0 =	sld [smem:$0x3F6E]  }
0x30: {  	s3 =	sld [smem:$0x3F71]  }
0x31: {  	[smem:$0x3F7A] =	sst s10  }
0x32: {  	s10 =	sld [smem:$0x3F78];
	_ =	sdelay $0x3  }
0x33: {  	p0 =	seq.s32 s10, $0x1;
	s10 =	sld [smem:$0x3F7A];
	_ =	sdelay $0x3  }
0x34: {  	[smem:$0x3F7A] =	sst s10  }
0x35: {  	s10 =	sld [smem:$0x3F79];
	_ =	sdelay $0x3  }
0x36: {  	p1 =	seq.s32 s10, $0x1;
	s10 =	sld [smem:$0x3F7A];
	_ =	sdelay $0x3  }
0x37: {  	[smem:$0x3F7A] =	sst s10  }
0x38: {  	s10 =	sld [smem:$0x3F7B]  }
0x39: {  	_ = 	snop;
	(pc) =	sbr.ind lr, $3  }
0x3a: {  	_ = 	snop  }
0x3b: {  	_ = 	snop  }
0x3c: {  	p2 =	seq.s32 s10, $0x1;
	s10 =	sld [smem:$0x3F7A]  }
0x3d: {  	_ =	shalt  }
0x3e: {  	_ =	shalt  }
0x3f: {  	_ =	shalt  }
0x40: {  	_ =	shalt  }
0x41: {  	_ =	shalt  }
0x42: {  	_ =	shalt  }
0x43: {  	_ =	shalt  }
0x44: {  	_ =	shalt  }
0x45: {  	_ =	shalt  }
0x46: {  	_ =	shalt  }
0x47: {  	_ =	shalt  }
0x48: {  	_ =	shalt  }
0x49: {  	_ =	shalt  }
0x4a: {  	_ =	shalt  }
0x4b: {  	_ =	shalt  }
0x4c: {  	_ =	shalt  }
0x4d: {  	_ =	shalt  }
0x4e: {  	_ =	shalt  }
0x4f: {  	_ =	shalt  }
0x50: {  	_ =	shalt  }
0x51: {  	_ =	shalt  }
0x52: {  	_ =	shalt  }
0x53: {  	_ =	shalt  }
0x54: {  	_ =	shalt  }
0x55: {  	_ =	shalt  }
0x56: {  	_ =	shalt  }
0x57: {  	_ =	shalt  }
0x58: {  	_ =	shalt  }
0x59: {  	_ =	shalt  }
0x5a: {  	_ =	shalt  }
0x5b: {  	_ =	shalt  }
0x5c: {  	_ =	shalt  }
0x5d: {  	_ =	shalt  }
0x5e: {  	_ =	shalt  }
0x5f: {  	_ =	shalt  }
0x60: {  	_ =	shalt  }
0x61: {  	_ =	shalt  }
0x62: {  	_ =	shalt  }
0x63: {  	_ =	shalt  }
0x64: {  	_ =	shalt  }
0x65: {  	_ =	shalt  }
0x66: {  	_ =	shalt  }
0x67: {  	_ =	shalt  }
0x68: {  	_ =	shalt  }
0x69: {  	_ =	shalt  }
0x6a: {  	_ =	shalt  }
0x6b: {  	_ =	shalt  }
0x6c: {  	_ =	shalt  }
0x6d: {  	_ =	shalt  }
0x6e: {  	_ =	shalt  }
0x6f: {  	_ =	shalt  }
0x70: {  	_ =	shalt  }
0x71: {  	_ =	shalt  }
0x72: {  	_ =	shalt  }
0x73: {  	_ =	shalt  }
0x74: {  	_ =	shalt  }
0x75: {  	_ =	shalt  }
0x76: {  	_ =	shalt  }
0x77: {  	_ =	shalt  }
0x78: {  	_ =	shalt  }
0x79: {  	_ =	shalt  }
0x7a: {  	_ =	shalt  }
0x7b: {  	_ =	shalt  }
0x7c: {  	_ =	shalt  }
0x7d: {  	_ =	shalt  }
0x7e: {  	_ =	shalt  }
0x7f: {  	_ =	shalt  }
0x80: {  	_ =	shalt  }
0x81: {  	_ =	shalt  }
0x82: {  	_ =	shalt  }
0x83: {  	_ =	shalt  }
0x84: {  	_ =	shalt  }
0x85: {  	_ =	shalt  }
0x86: {  	_ =	shalt  }
0x87: {  	_ =	shalt  }
.Lfunc_end0:
.L_simem_size_0:
called_computation_lowered:
.L_overlay_start_0:
0x88: {  	s2 =	sld [smem:$0x3FD9]  }
0x89: {  	s3 =	sld [smem:$0x3FFE];
	_ =	sdelay $0x1  }
0x8a: {  	s5 =	srdreg.scid  }
0x8b: {  	s4 =	sand.u32 $0x1, s5  }
0x8c: {  	s1 =	sshll.u32 s4, $0xA;
	s2 =	sadd.s32 s3, s2  }
0x8d: {  	s2 =	sadd.s32 s2, s1  }
0x8e: {  	[smem:$0x3F86] =	sst s2  }
0x8f: {  	_ = 	snop  }
0x90: {  	s3 =	sld [smem:$0x3FC8]  }
0x91: {  	s6 =	sld [smem:$0x3FC5]  }
0x92: {  	s7 =	sld [smem:$0x3FC4]  }
0x93: {  	s8 =	sld [smem:$0x3FC3]  }
0x94: {  	s9 =	sld [smem:$0x3FC2]  }
0x95: {  	s10 =	sld [smem:$0x3FC1]  }
0x96: {  	s11 =	sld [smem:$0x3FC0]  }
0x97: {  	s12 =	sld [smem:$0x3FBF]  }
0x98: {  	s13 =	sld [smem:$0x3FBE]  }
0x99: {  	s14 =	sld [smem:$0x3FBD]  }
0x9a: {  	s17 =	sld [smem:$0x3FAF]  }
0x9b: {  	s18 =	sld [smem:$0x3FAE]  }
0x9c: {  	s19 =	sld [smem:$0x3FAD]  }
0x9d: {  	s20 =	sld [smem:$0x3FAC]  }
0x9e: {  	s21 =	sld [smem:$0x3FAB]  }
0x9f: {  	s22 =	sld [smem:$0x3FAA]  }
0xa0: {  	s23 =	sld [smem:$0x3FA9]  }
0xa1: {  	s24 =	sld [smem:$0x3FA8]  }
0xa2: {  	s25 =	sld [smem:$0x3FA7]  }
0xa3: {  	s26 =	sld [smem:$0x3FA6]  }
0xa4: {  	s28 =	sld [smem:$0x3FA5]  }
0xa5: {  	s29 =	sld [smem:$0x3FA4]  }
0xa6: {  	s30 =	sld [smem:$0x3FA3]  }
0xa7: {  	s16 =	sld [smem:$0x3FD0];
	(tm) =	ssettm $0x1  }
0xa8: {  	s15 =	sld [smem:$0x3FFB];
	_ =	sdelay $0x3  }
0xa9: {  	_ =	strace s15  }
0xaa: {  	s15 =	sld [smem:$0x3FFC];
	_ =	sdelay $0x3  }
0xab: {  	_ =	strace s15  }
0xac: {  	s15 =	sld [smem:$0x3FFD];
	_ =	sdelay $0x3  }
0xad: {  	_ =	strace s15  }
0xae: {  	_ =	strace $0x8FFFFFFF  }
0xaf: {  	s2 =	sld [smem:$0x3FDB];
	_ =	sdelay $0x1  }
0xb0: {  	s31 =	simm.s32 $_scs_section_size  }
0xb1: {  	s0 =	simm.s32 $_size__tile_task_arg_handler_lowered;
	s1 =	simm.s32 $_tile_task_arg_handler_lowered  }
0xb2: {  	s0 =	sshll.u32 s0, $0x1;
	s1 =	sshll.u32 s1, $0x1;
	s31 =	sadd.s32 s31, s2  }
0xb3: {  	s15 =	simm.s32 $0x1BFF;
	s2 =	simm.s32 $0x60;
	s1 =	sadd.s32 s1, s31  }
0xb4: {  	[timem:s2], [sflag:s15] =	dma.local [hbm:s1], s0  }
0xb5: {  	_ =	swait.ge [sflag:s15], s0  }
0xb6: {  	s2 =	simm.s32 $_tile_overlayer_lowered;
	s0 =	ssub.s32 $0x0, s0;
	[sflag:s15] =	ssyncset.done $0x0  }
0xb7: {  	[sflag:s15] =	ssyncadd.s32 s0;
	s0 =	sshll.u32 s2, $0x1;
	s2 =	simm.s32 $_size__tile_overlayer_lowered  }
0xb8: {  	s1 =	sshll.u32 s2, $0x1;
	s2 =	sadd.s32 s0, s31;
	s0 =	simm.s32 $0x0  }
0xb9: {  	[timem:s0], [sflag:s15] =	dma.local [hbm:s2], s1  }
0xba: {  	_ =	swait.ge [sflag:s15], s1  }
0xbb: {  	s1 =	ssub.s32 $0x0, s1;
	[sflag:s15] =	ssyncset.done $0x0  }
0xbc: {  	[sflag:s15] =	ssyncadd.s32 s1;
	_ =	sdelay $0x1  }
0xbd: {  	s15 =	simm.s32 $0x1B8B  }
0xbe: {  	_ =	swait.ge [sflag:s15], $0x1  }
0xbf: {  	[sflag:s15] =	ssyncset.done $0x0  }
0xc0: {  	s2 =	simm.s32 $0x1B8E;
	s1 =	sld [smem:$0x3FFE];
	[sflag:s15] =	ssyncadd.s32 $0xFFFFFFFF  }
0xc1: {  	s15 =	simm.s32 $execute0_lowered;
	[smem:$0x3FD2] =	sst s2  }
0xc2: {  	s2 =	sshll.u32 s15, $0x1;
	_ =	strace $0x80000046;
	[dreg:$0x1] =	wrdreg $0xFFFFFFFF  }
0xc3: {  	s2 =	sadd.s32 s31, s2;
	s31 =	simm.s32 $_size_execute0_lowered;
	[dreg:$0x0] =	wrdreg $0x0  }
0xc4: {  	s15 =	sshll.u32 s31, $0x1;
	[dreg:$0x2] =	wrdreg s2  }
0xc5: {  	[dreg:$0x3] =	wrdreg s15  }
0xc6: {  	[dreg:$0x4] =	wrdreg $0xC0  }
0xc7: {  	_ =	task [dreg:s0], $0x5FFFF  }
0xc8: {  	[dreg:$0x1] =	wrdreg $0xFFFFFFFF  }
0xc9: {  	[dreg:$0x0] =	wrdreg $0x30  }
0xca: {  	[dreg:$0x2] =	wrdreg $0x0  }
0xcb: {  	[dreg:$0x3] =	wrdreg s17  }
0xcc: {  	[dreg:$0x4] =	wrdreg s18  }
0xcd: {  	[dreg:$0x5] =	wrdreg s19  }
0xce: {  	[dreg:$0x6] =	wrdreg s20  }
0xcf: {  	[dreg:$0x7] =	wrdreg s21  }
0xd0: {  	[dreg:$0x8] =	wrdreg s22  }
0xd1: {  	[dreg:$0x9] =	wrdreg s23  }
0xd2: {  	[dreg:$0xa] =	wrdreg s24  }
0xd3: {  	[dreg:$0xb] =	wrdreg s25  }
0xd4: {  	[dreg:$0xc] =	wrdreg s26  }
0xd5: {  	[dreg:$0xd] =	wrdreg s28  }
0xd6: {  	[dreg:$0xe] =	wrdreg s29  }
0xd7: {  	[dreg:$0xf] =	wrdreg s30  }
0xd8: {  	_ =	task [dreg:s0], $0x10FFFF  }
0xd9: {  	[dreg:$0x1] =	wrdreg $0xFFFFFFFF  }
0xda: {  	[dreg:$0x0] =	wrdreg $0x30  }
0xdb: {  	[dreg:$0x2] =	wrdreg $0xD  }
0xdc: {  	[dreg:$0x3] =	wrdreg s1  }
0xdd: {  	[dreg:$0x4] =	wrdreg $0x9  }
0xde: {  	_ =	task [dreg:s0], $0x5FFFF  }
0xdf: {  	[dreg:$0x1] =	wrdreg $0xFFFFFFFF  }
0xe0: {  	s24 =	sld [smem:$0x3FC9]  }
0xe1: {  	s25 =	sld [smem:$0x3FC7]  }
0xe2: {  	s26 =	sld [smem:$0x3FC6]  }
0xe3: {  	[dreg:$0x0] =	wrdreg $0x60  }
0xe4: {  	[dreg:$0x2] =	wrdreg s16  }
0xe5: {  	[dreg:$0x3] =	wrdreg s24  }
0xe6: {  	[dreg:$0x4] =	wrdreg s3  }
0xe7: {  	[dreg:$0x5] =	wrdreg s25  }
0xe8: {  	[dreg:$0x6] =	wrdreg s26  }
0xe9: {  	[dreg:$0x7] =	wrdreg s6  }
0xea: {  	[dreg:$0x8] =	wrdreg s7  }
0xeb: {  	[dreg:$0x9] =	wrdreg s8  }
0xec: {  	[dreg:$0xa] =	wrdreg s9  }
0xed: {  	[dreg:$0xb] =	wrdreg s10  }
0xee: {  	[dreg:$0xc] =	wrdreg s11  }
0xef: {  	[dreg:$0xd] =	wrdreg s12  }
0xf0: {  	[dreg:$0xe] =	wrdreg s13  }
0xf1: {  	[dreg:$0xf] =	wrdreg s14  }
0xf2: {  	_ =	task.clear_ibuf [dreg:s0], $0x10FFFF;
	_ =	strace $0x90000046  }
0xf3: {  	s28 =	simm.s32 $0x9;
	_ =	strace $0x80000048  }
0xf4: {  	_ =	swait.ge [sflag:s28], $0x1  }
0xf5: {  	[sflag:s28] =	ssyncadd.s32 $0xFFFFFFFF  }
0xf6: {  	_ =	strace $0x90000048  }
0xf7: {  	_ =	sfence  }
0xf8: {  	s29 =	sld [smem:$0x0];
	_ =	sdelay $0x2  }
0xf9: {  	s31 =	sshrl.u32 s5, $0x2;
	s30 =	sshll.u32 s5, $0xD  }
0xfa: {  	s2 =	sand.u32 $0x4000, s30;
	s1 =	sadd.s32 s31, s29  }
0xfb: {  	s2 =	sor.u32 s2, s4;
	s1 =	sshll.u32 s1, $0x11  }
0xfc: {  	s1 =	sor.u32 s1, s2  }
0xfd: {  	s1 =	sadd.s32 $0x8F2B, s1  }
0xfe: {  	[sflag:s1] =	ssyncadd.remote.s32 $0x1  }
0xff: {  	_ =	sfence.sel $0xFFFF  }
0x100: {  	[dreg:$0x0] =	wrdreg $0xFFFFFFFF;
	(pc) =	sbr.abs _section_cstart, $3  }
0x101: {  	[dreg:$0x1] =	wrdreg $0xFFFFFFFF  }
0x102: {  	_ =	task.clear_ibuf [dreg:s0], $0x2FFFF;
	_ =	strace $0x9FFFFFFF  }
0x103: {  	(tm) =	ssettm $0x7FFFFFFF  }
tec
_tile_task_arg_handler_lowered:
.L_overlay_start_1:
0x0: {  	(tag) =	ssettag $0x1  }
0x1: {  	s0 =	rddreg [dreg:$0x0]  }
0x2: {  	s1 =	rddreg [dreg:$0x1]  }
0x3: {  	s2 =	rddreg [dreg:$0x2]  }
0x4: {  	s3 =	rddreg [dreg:$0x3]  }
0x5: {  	s4 =	rddreg [dreg:$0x4]  }
0x6: {  	s5 =	rddreg [dreg:$0x5]  }
0x7: {  	s6 =	rddreg [dreg:$0x6]  }
0x8: {  	s7 =	rddreg [dreg:$0x7]  }
0x9: {  	s8 =	rddreg [dreg:$0x8]  }
0xa: {  	s9 =	rddreg [dreg:$0x9]  }
0xb: {  	s10 =	rddreg [dreg:$0xa]  }
0xc: {  	s11 =	rddreg [dreg:$0xb]  }
0xd: {  	s12 =	rddreg [dreg:$0xc]  }
0xe: {  	s13 =	rddreg [dreg:$0xd]  }
0xf: {  	[smem:s0] =	sst s1  }
0x10: {  	[smem:s0+$0x1] =	sst s2  }
0x11: {  	[smem:s0+$0x2] =	sst s3  }
0x12: {  	[smem:s0+$0x3] =	sst s4  }
0x13: {  	[smem:s0+$0x4] =	sst s5  }
0x14: {  	[smem:s0+$0x5] =	sst s6  }
0x15: {  	[smem:s0+$0x6] =	sst s7  }
0x16: {  	[smem:s0+$0x7] =	sst s8  }
0x17: {  	[smem:s0+$0x8] =	sst s9  }
0x18: {  	[smem:s0+$0x9] =	sst s10  }
0x19: {  	[smem:s0+$0xA] =	sst s11  }
0x1a: {  	[smem:s0+$0xB] =	sst s12  }
0x1b: {  	[smem:s0+$0xC] =	sst s13;
	_ =	shalt  }
.Lfunc_end2:
execute0_lowered:
.L_overlay_start_2:
0x1c: {  	(tag) =	ssettag $0x2  }
0x1d: {  	s2 =	rddreg [dreg:$0x2]  }
0x1e: {  	s3 =	rddreg [dreg:$0x3]  }
0x1f: {  	s4 =	rddreg [dreg:$0x4]  }
0x20: {  	s5 =	rddreg [dreg:$0x5]  }
0x21: {  	s6 =	rddreg [dreg:$0x6]  }
0x22: {  	s7 =	rddreg [dreg:$0x7]  }
0x23: {  	s8 =	rddreg [dreg:$0x8]  }
0x24: {  	s9 =	rddreg [dreg:$0x9]  }
0x25: {  	s10 =	rddreg [dreg:$0xa]  }
0x26: {  	s11 =	rddreg [dreg:$0xb]  }
0x27: {  	s12 =	rddreg [dreg:$0xc]  }
0x28: {  	s13 =	rddreg [dreg:$0xd];
	s1 =	simm.s32 $0x0  }
0x29: {  	[smem:$0x7FF] =	sst s1  }
0x2a: {  	s14 =	sld [smem:$0x0]  }
0x2b: {  	s15 =	sld [smem:$0x1]  }
0x2c: {  	s16 =	sld [smem:$0x2]  }
0x2d: {  	s17 =	sld [smem:$0x3]  }
0x2e: {  	s18 =	sld [smem:$0x4]  }
0x2f: {  	s19 =	sld [smem:$0x5]  }
0x30: {  	s20 =	sld [smem:$0x6]  }
0x31: {  	s21 =	sld [smem:$0x7]  }
0x32: {  	s24 =	srdreg.scid;
	s22 =	sld [smem:$0x8]  }
0x33: {  	s0 =	stileid.u32;
	s24 =	sand.u32 $0x1, s24;
	s23 =	sld [smem:$0x9]  }
0x34: {  	s25 =	sld [smem:$0xA];
	s28 =	sshll.u32 s24, $0x6;
	s24 =	ssub.s32 $0x2, s24  }
0x35: {  	s31 =	sshll.u32 s0, $0x7;
	s26 =	sld [smem:$0xB];
	s0 =	sshrl.u32 s24, $0x1  }
0x36: {  	s0 =	ssub.s32 s24, s0;
	s24 =	sld [smem:$0xE]  }
0x37: {  	s29 =	sld [smem:$0xC]  }
0x38: {  	s30 =	sld [smem:$0xD];
	s28 =	sor.u32 s28, s31  }
0x39: {  	s2 =	sadd.s32 s2, s28;
	[dreg:$0xe] =	wrdreg s24  }
0x3a: {  	s3 =	sadd.s32 s3, s28;
	_ =	strace $0x80000047;
	[dreg:$0x10] =	wrdreg s2  }
0x3b: {  	s4 =	sadd.s32 s4, s28;
	[dreg:$0x11] =	wrdreg s3  }
0x3c: {  	s5 =	sadd.s32 s5, s28;
	[dreg:$0x12] =	wrdreg s4  }
0x3d: {  	s6 =	sadd.s32 s6, s28;
	[dreg:$0x13] =	wrdreg s5  }
0x3e: {  	[dreg:$0x14] =	wrdreg s6  }
0x3f: {  	s3 =	sadd.s32 s8, s28;
	s24 =	rddreg [dreg:$0x1]  }
0x40: {  	s4 =	sadd.s32 s9, s28;
	[dreg:$0x16] =	wrdreg s3  }
0x41: {  	s5 =	sadd.s32 s10, s28;
	[dreg:$0x17] =	wrdreg s4  }
0x42: {  	s6 =	sadd.s32 s11, s28;
	[dreg:$0x18] =	wrdreg s5  }
0x43: {  	s8 =	sadd.s32 s13, s28;
	[dreg:$0x19] =	wrdreg s6  }
0x44: {  	s9 =	sadd.s32 s14, s28;
	[dreg:$0x1b] =	wrdreg s8  }
0x45: {  	s10 =	sadd.s32 s15, s28;
	[dreg:$0x1c] =	wrdreg s9  }
0x46: {  	s11 =	sadd.s32 s16, s28;
	[dreg:$0x1d] =	wrdreg s10  }
0x47: {  	s13 =	sadd.s32 s18, s28;
	[dreg:$0x1e] =	wrdreg s11  }
0x48: {  	s14 =	sadd.s32 s19, s28;
	[smem:$0x7F1] =	sst s13  }
0x49: {  	s15 =	sadd.s32 s20, s28;
	[smem:$0x7F2] =	sst s14  }
0x4a: {  	s16 =	sadd.s32 s21, s28;
	[smem:$0x7F3] =	sst s15  }
0x4b: {  	s18 =	sadd.s32 s23, s28;
	[smem:$0x7F4] =	sst s16  }
0x4c: {  	s19 =	sadd.s32 s25, s28;
	[smem:$0x7F6] =	sst s18  }
0x4d: {  	s20 =	sadd.s32 s26, s28;
	[smem:$0x7F7] =	sst s19  }
0x4e: {  	s21 =	sadd.s32 s29, s28;
	[smem:$0x7F8] =	sst s20  }
0x4f: {  	s23 =	sadd.s32 $0x3600, s30;
	[smem:$0x7F9] =	sst s21  }
0x50: {  	s31 =	simm.s32 $0x0;
	s25 =	sadd.s32 $0x9800, s30;
	[smem:$0x7FA] =	sst s23  }
0x51: {  	s26 =	sadd.s32 $0xC900, s30;
	s29 =	simm.s32 $0x2;
	[smem:$0x7FC] =	sst s25  }
0x52: {  	[smem:$0x7FD] =	sst s26;
	s4 =	sadd.s32 $0xFA00, s30;
	s5 =	sadd.s32 $0x12B00, s30  }
0x53: {  	s6 =	sadd.s32 $0x15C00, s30;
	s8 =	sadd.s32 $0x1BE00, s30;
	s9 =	sadd.s32 $0x1EF00, s30  }
0x54: {  	s10 =	sadd.s32 $0x22000, s30;
	s11 =	sadd.s32 $0x25100, s30;
	s14 =	smax.u32 s0, $0x1  }
0x55: {  	s15 =	simm.s32 $0x200;
	s16 =	simm.s32 $0x400;
	s18 =	simm.s32 $0x800  }
0x56: {  	s19 =	simm.s32 $0xA00;
	s20 =	simm.s32 $0xC00;
	s24 =	sadd.s32 s24, s28  }
0x57: {  	s21 =	simm.s32 $0xE00;
	[dreg:$0xf] =	wrdreg s24;
	s24 =	sadd.s32 s7, s28  }
0x58: {  	s23 =	simm.s32 $0x1200;
	s7 =	sadd.s32 s12, s28;
	[dreg:$0x15] =	wrdreg s24  }
0x59: {  	s25 =	simm.s32 $0x1600;
	s12 =	sadd.s32 s17, s28;
	[dreg:$0x1a] =	wrdreg s7  }
0x5a: {  	s26 =	simm.s32 $0x1800;
	s17 =	sadd.s32 s22, s28;
	[dreg:$0x1f] =	wrdreg s12  }
0x5b: {  	s22 =	sadd.s32 s28, s30;
	s28 =	simm.s32 $0x1;
	[smem:$0x7F5] =	sst s17  }
0x5c: {  	s24 =	sadd.s32 $0x6700, s30;
	s7 =	sadd.s32 $0x18D00, s30;
	s12 =	sadd.s32 $0x28200, s30  }
0x5d: {  	s13 =	sadd.s32 $0x2B400, s22;
	s17 =	simm.s32 $0x600;
	s22 =	simm.s32 $0x1000  }
0x5e: {  	s30 =	simm.s32 $0x3;
	[smem:$0x7FB] =	sst s24;
	s24 =	simm.s32 $0x1400  }
.LBB3_1:
0x5f: {  	s0 =	rddreg [dreg:$0x0];
	s2 =	simm.s32 $0x4E00  }
0x60: {  	[tilespmem:s2], [sflag:$0x1] =	stream.linear.gather [hbm4b:s0+s1], $0x680, $0x38;
	[tilespmem:$0x5800] =	vst v63  }
0x61: {  	s3 =	rddreg [dreg:$0xf]  }
0x62: {  	[tilespmem:s1], [sflag:$0x1] =	stream.linear.gather [hbm4b:s3+s1], $0x200, $0x38;
	[tilespmem:$0x5800] =	vst v63  }
0x63: {  	s2 =	rddreg [dreg:$0x10]  }
0x64: {  	[tilespmem:s15], [sflag:$0x1] =	stream.linear.gather [hbm4b:s2+s1], $0x200, $0x38;
	[tilespmem:$0x5800] =	vst v63  }
0x65: {  	s3 =	rddreg [dreg:$0x11]  }
0x66: {  	[tilespmem:s16], [sflag:$0x1] =	stream.linear.gather [hbm4b:s3+s1], $0x200, $0x38;
	[tilespmem:$0x5800] =	vst v63  }
0x67: {  	s2 =	rddreg [dreg:$0x12]  }
0x68: {  	[tilespmem:s17], [sflag:$0x1] =	stream.linear.gather [hbm4b:s2+s1], $0x200, $0x38;
	[tilespmem:$0x5800] =	vst v63  }
0x69: {  	s3 =	rddreg [dreg:$0x13]  }
0x6a: {  	[tilespmem:s18], [sflag:$0x1] =	stream.linear.gather [hbm4b:s3+s1], $0x200, $0x38;
	[tilespmem:$0x5800] =	vst v63  }
0x6b: {  	s2 =	rddreg [dreg:$0x14]  }
0x6c: {  	[tilespmem:s19], [sflag:$0x1] =	stream.linear.gather [hbm4b:s2+s1], $0x200, $0x38;
	[tilespmem:$0x5800] =	vst v63  }
0x6d: {  	s3 =	rddreg [dreg:$0x15]  }
0x6e: {  	[tilespmem:s20], [sflag:$0x1] =	stream.linear.gather [hbm4b:s3+s1], $0x200, $0x38;
	[tilespmem:$0x5800] =	vst v63  }
0x6f: {  	s2 =	rddreg [dreg:$0x16]  }
0x70: {  	[tilespmem:s21], [sflag:$0x1] =	stream.linear.gather [hbm4b:s2+s1], $0x200, $0x38;
	[tilespmem:$0x5800] =	vst v63  }
0x71: {  	s3 =	rddreg [dreg:$0x17]  }
0x72: {  	[tilespmem:s22], [sflag:$0x1] =	stream.linear.gather [hbm4b:s3+s1], $0x200, $0x38;
	[tilespmem:$0x5800] =	vst v63  }
0x73: {  	s2 =	rddreg [dreg:$0x18]  }
0x74: {  	[tilespmem:s23], [sflag:$0x1] =	stream.linear.gather [hbm4b:s2+s1], $0x200, $0x38;
	[tilespmem:$0x5800] =	vst v63  }
0x75: {  	s3 =	rddreg [dreg:$0x19]  }
0x76: {  	[tilespmem:s24], [sflag:$0x1] =	stream.linear.gather [hbm4b:s3+s1], $0x200, $0x38;
	[tilespmem:$0x5800] =	vst v63  }
0x77: {  	s2 =	rddreg [dreg:$0x1a]  }
0x78: {  	[tilespmem:s25], [sflag:$0x1] =	stream.linear.gather [hbm4b:s2+s1], $0x200, $0x38;
	[tilespmem:$0x5800] =	vst v63  }
0x79: {  	s3 =	rddreg [dreg:$0x1b]  }
0x7a: {  	[tilespmem:s26], [sflag:$0x1] =	stream.linear.gather [hbm4b:s3+s1], $0x200, $0x38;
	[tilespmem:$0x5800] =	vst v63  }
0x7b: {  	s2 =	rddreg [dreg:$0x1c];
	s3 =	simm.s32 $0x3400  }
0x7c: {  	[tilespmem:s3], [sflag:$0x1] =	stream.linear.gather [hbm4b:s2+s1], $0x200, $0x38;
	[tilespmem:$0x5800] =	vst v63  }
0x7d: {  	s2 =	rddreg [dreg:$0x1d];
	s3 =	simm.s32 $0x3600  }
0x7e: {  	[tilespmem:s3], [sflag:$0x1] =	stream.linear.gather [hbm4b:s2+s1], $0x200, $0x38;
	[tilespmem:$0x5800] =	vst v63  }
0x7f: {  	s2 =	rddreg [dreg:$0x1e];
	s3 =	simm.s32 $0x3800  }
0x80: {  	[tilespmem:s3], [sflag:$0x1] =	stream.linear.gather [hbm4b:s2+s1], $0x200, $0x38;
	[tilespmem:$0x5800] =	vst v63  }
0x81: {  	s2 =	rddreg [dreg:$0x1f];
	s3 =	simm.s32 $0x3A00  }
0x82: {  	[tilespmem:s3], [sflag:$0x1] =	stream.linear.gather [hbm4b:s2+s1], $0x200, $0x38;
	[tilespmem:$0x5800] =	vst v63  }
0x83: {  	s2 =	sld [smem:$0x7F1];
	_ =	sdelay $0x1  }
0x84: {  	s3 =	simm.s32 $0x3C00  }
0x85: {  	[tilespmem:s3], [sflag:$0x1] =	stream.linear.gather [hbm4b:s2+s1], $0x200, $0x38;
	[tilespmem:$0x5800] =	vst v63  }
0x86: {  	s2 =	sld [smem:$0x7F2];
	_ =	sdelay $0x1  }
0x87: {  	s3 =	simm.s32 $0x3E00  }
0x88: {  	[tilespmem:s3], [sflag:$0x1] =	stream.linear.gather [hbm4b:s2+s1], $0x200, $0x38;
	[tilespmem:$0x5800] =	vst v63  }
0x89: {  	s2 =	sld [smem:$0x7F3];
	_ =	sdelay $0x1  }
0x8a: {  	s3 =	simm.s32 $0x4000  }
0x8b: {  	[tilespmem:s3], [sflag:$0x1] =	stream.linear.gather [hbm4b:s2+s1], $0x200, $0x38;
	[tilespmem:$0x5800] =	vst v63  }
0x8c: {  	s2 =	sld [smem:$0x7F4];
	_ =	sdelay $0x1  }
0x8d: {  	s3 =	simm.s32 $0x4200  }
0x8e: {  	[tilespmem:s3], [sflag:$0x1] =	stream.linear.gather [hbm4b:s2+s1], $0x200, $0x38;
	[tilespmem:$0x5800] =	vst v63  }
0x8f: {  	s2 =	sld [smem:$0x7F5];
	_ =	sdelay $0x1  }
0x90: {  	s3 =	simm.s32 $0x4400  }
0x91: {  	[tilespmem:s3], [sflag:$0x1] =	stream.linear.gather [hbm4b:s2+s1], $0x200, $0x38;
	[tilespmem:$0x5800] =	vst v63  }
0x92: {  	s2 =	sld [smem:$0x7F6];
	_ =	sdelay $0x1  }
0x93: {  	s3 =	simm.s32 $0x4600  }
0x94: {  	[tilespmem:s3], [sflag:$0x1] =	stream.linear.gather [hbm4b:s2+s1], $0x200, $0x38;
	[tilespmem:$0x5800] =	vst v63  }
0x95: {  	s2 =	sld [smem:$0x7F7];
	_ =	sdelay $0x1  }
0x96: {  	s3 =	simm.s32 $0x4800  }
0x97: {  	[tilespmem:s3], [sflag:$0x1] =	stream.linear.gather [hbm4b:s2+s1], $0x200, $0x38;
	[tilespmem:$0x5800] =	vst v63  }
0x98: {  	s2 =	sld [smem:$0x7F8];
	_ =	sdelay $0x1  }
0x99: {  	s3 =	simm.s32 $0x4A00  }
0x9a: {  	[tilespmem:s3], [sflag:$0x1] =	stream.linear.gather [hbm4b:s2+s1], $0x200, $0x38;
	[tilespmem:$0x5800] =	vst v63  }
0x9b: {  	s2 =	sld [smem:$0x7F9];
	_ =	sdelay $0x1  }
0x9c: {  	s3 =	simm.s32 $0x4C00  }
0x9d: {  	[tilespmem:s3], [sflag:$0x1] =	stream.linear.gather [hbm4b:s2+s1], $0x200, $0x38;
	[tilespmem:$0x5800] =	vst v63  }
0x9e: {  	_ =	swait.ge [sflag:s28], $0x680  }
0x9f: {  	[sflag:s28] =	ssyncset.done $0x0  }
0xa0: {  	[sflag:s28] =	ssyncadd.s32 $0xFFFFF980  }
0xa1: {  	_ =	swait.ge [sflag:s28], $0x200  }
0xa2: {  	[sflag:s28] =	ssyncset.done $0x0  }
0xa3: {  	[sflag:s28] =	ssyncadd.s32 $0xFFFFFE00  }
0xa4: {  	_ =	swait.ge [sflag:s28], $0x200  }
0xa5: {  	[sflag:s28] =	ssyncset.done $0x0  }
0xa6: {  	[sflag:s28] =	ssyncadd.s32 $0xFFFFFE00  }
0xa7: {  	_ =	swait.ge [sflag:s28], $0x200  }
0xa8: {  	[sflag:s28] =	ssyncset.done $0x0  }
0xa9: {  	[sflag:s28] =	ssyncadd.s32 $0xFFFFFE00  }
0xaa: {  	_ =	swait.ge [sflag:s28], $0x200  }
0xab: {  	[sflag:s28] =	ssyncset.done $0x0  }
0xac: {  	[sflag:s28] =	ssyncadd.s32 $0xFFFFFE00  }
0xad: {  	_ =	swait.ge [sflag:s28], $0x200  }
0xae: {  	[sflag:s28] =	ssyncset.done $0x0  }
0xaf: {  	[sflag:s28] =	ssyncadd.s32 $0xFFFFFE00  }
0xb0: {  	_ =	swait.ge [sflag:s28], $0x200  }
0xb1: {  	[sflag:s28] =	ssyncset.done $0x0  }
0xb2: {  	[sflag:s28] =	ssyncadd.s32 $0xFFFFFE00  }
0xb3: {  	_ =	swait.ge [sflag:s28], $0x200  }
0xb4: {  	[sflag:s28] =	ssyncset.done $0x0  }
0xb5: {  	[sflag:s28] =	ssyncadd.s32 $0xFFFFFE00  }
0xb6: {  	_ =	swait.ge [sflag:s28], $0x200  }
0xb7: {  	[sflag:s28] =	ssyncset.done $0x0  }
0xb8: {  	[sflag:s28] =	ssyncadd.s32 $0xFFFFFE00  }
0xb9: {  	_ =	swait.ge [sflag:s28], $0x200  }
0xba: {  	[sflag:s28] =	ssyncset.done $0x0  }
0xbb: {  	[sflag:s28] =	ssyncadd.s32 $0xFFFFFE00  }
0xbc: {  	_ =	swait.ge [sflag:s28], $0x200  }
0xbd: {  	[sflag:s28] =	ssyncset.done $0x0  }
0xbe: {  	[sflag:s28] =	ssyncadd.s32 $0xFFFFFE00  }
0xbf: {  	_ =	swait.ge [sflag:s28], $0x200  }
0xc0: {  	[sflag:s28] =	ssyncset.done $0x0  }
0xc1: {  	[sflag:s28] =	ssyncadd.s32 $0xFFFFFE00  }
0xc2: {  	_ =	swait.ge [sflag:s28], $0x200  }
0xc3: {  	[sflag:s28] =	ssyncset.done $0x0  }
0xc4: {  	[sflag:s28] =	ssyncadd.s32 $0xFFFFFE00  }
0xc5: {  	_ =	swait.ge [sflag:s28], $0x200  }
0xc6: {  	[sflag:s28] =	ssyncset.done $0x0  }
0xc7: {  	[sflag:s28] =	ssyncadd.s32 $0xFFFFFE00  }
0xc8: {  	_ =	swait.ge [sflag:s28], $0x200  }
0xc9: {  	[sflag:s28] =	ssyncset.done $0x0  }
0xca: {  	[sflag:s28] =	ssyncadd.s32 $0xFFFFFE00  }
0xcb: {  	_ =	swait.ge [sflag:s28], $0x200  }
0xcc: {  	[sflag:s28] =	ssyncset.done $0x0  }
0xcd: {  	[sflag:s28] =	ssyncadd.s32 $0xFFFFFE00  }
0xce: {  	_ =	swait.ge [sflag:s28], $0x200  }
0xcf: {  	[sflag:s28] =	ssyncset.done $0x0  }
0xd0: {  	[sflag:s28] =	ssyncadd.s32 $0xFFFFFE00  }
0xd1: {  	_ =	swait.ge [sflag:s28], $0x200  }
0xd2: {  	[sflag:s28] =	ssyncset.done $0x0  }
0xd3: {  	[sflag:s28] =	ssyncadd.s32 $0xFFFFFE00  }
0xd4: {  	_ =	swait.ge [sflag:s28], $0x200  }
0xd5: {  	[sflag:s28] =	ssyncset.done $0x0  }
0xd6: {  	[sflag:s28] =	ssyncadd.s32 $0xFFFFFE00  }
0xd7: {  	_ =	swait.ge [sflag:s28], $0x200  }
0xd8: {  	[sflag:s28] =	ssyncset.done $0x0  }
0xd9: {  	[sflag:s28] =	ssyncadd.s32 $0xFFFFFE00  }
0xda: {  	_ =	swait.ge [sflag:s28], $0x200  }
0xdb: {  	[sflag:s28] =	ssyncset.done $0x0  }
0xdc: {  	[sflag:s28] =	ssyncadd.s32 $0xFFFFFE00  }
0xdd: {  	_ =	swait.ge [sflag:s28], $0x200  }
0xde: {  	[sflag:s28] =	ssyncset.done $0x0  }
0xdf: {  	[sflag:s28] =	ssyncadd.s32 $0xFFFFFE00  }
0xe0: {  	_ =	swait.ge [sflag:s28], $0x200  }
0xe1: {  	[sflag:s28] =	ssyncset.done $0x0  }
0xe2: {  	[sflag:s28] =	ssyncadd.s32 $0xFFFFFE00  }
0xe3: {  	_ =	swait.ge [sflag:s28], $0x200  }
0xe4: {  	[sflag:s28] =	ssyncset.done $0x0  }
0xe5: {  	[sflag:s28] =	ssyncadd.s32 $0xFFFFFE00  }
0xe6: {  	_ =	swait.ge [sflag:s28], $0x200  }
0xe7: {  	[sflag:s28] =	ssyncset.done $0x0  }
0xe8: {  	[sflag:s28] =	ssyncadd.s32 $0xFFFFFE00  }
0xe9: {  	_ =	swait.ge [sflag:s28], $0x200  }
0xea: {  	[sflag:s28] =	ssyncset.done $0x0  }
0xeb: {  	[sflag:s28] =	ssyncadd.s32 $0xFFFFFE00  }
0xec: {  	_ =	swait.ge [sflag:s28], $0x200  }
0xed: {  	s2 =	sld [smem:$0x7FA]  }
0xee: {  	[sflag:s28] =	ssyncset.done $0x0  }
0xef: {  	s3 =	simm.s32 $0x1A00;
	[sflag:s28] =	ssyncadd.s32 $0xFFFFFE00  }
0xf0: {  	[tilespmem:s3], [sflag:$0x2] =	stream.indirect.gather [hbm4b:s2+s15], $0x1, s1, s15, $0xb8;
	[tilespmem:$0x5800] =	vst v63  }
0xf1: {  	s2 =	sld [smem:$0x7FB];
	_ =	sdelay $0x1  }
0xf2: {  	s3 =	simm.s32 $0x1C00  }
0xf3: {  	[tilespmem:s3], [sflag:$0x2] =	stream.indirect.gather [hbm4b:s2+s15], $0x1, s15, s15, $0xb8;
	[tilespmem:$0x5800] =	vst v63  }
0xf4: {  	s2 =	sld [smem:$0x7FC];
	_ =	sdelay $0x1  }
0xf5: {  	s3 =	simm.s32 $0x1E00  }
0xf6: {  	[tilespmem:s3], [sflag:$0x2] =	stream.indirect.gather [hbm4b:s2+s15], $0x1, s16, s15, $0xb8;
	[tilespmem:$0x5800] =	vst v63  }
0xf7: {  	s2 =	sld [smem:$0x7FD];
	_ =	sdelay $0x1  }
0xf8: {  	s3 =	simm.s32 $0x2000  }
0xf9: {  	[tilespmem:s3], [sflag:$0x2] =	stream.indirect.gather [hbm4b:s2+s15], $0x1, s17, s15, $0xb8;
	[tilespmem:$0x5800] =	vst v63  }
0xfa: {  	s3 =	simm.s32 $0x2200  }
0xfb: {  	[tilespmem:s3], [sflag:$0x2] =	stream.indirect.gather [hbm4b:s4+s15], $0x1, s18, s15, $0xb8;
	[tilespmem:$0x5800] =	vst v63  }
0xfc: {  	s2 =	simm.s32 $0x2400  }
0xfd: {  	[tilespmem:s2], [sflag:$0x2] =	stream.indirect.gather [hbm4b:s5+s15], $0x1, s19, s15, $0xb8;
	[tilespmem:$0x5800] =	vst v63  }
0xfe: {  	s3 =	simm.s32 $0x2600  }
0xff: {  	[tilespmem:s3], [sflag:$0x2] =	stream.indirect.gather [hbm4b:s6+s15], $0x1, s20, s15, $0xb8;
	[tilespmem:$0x5800] =	vst v63  }
0x100: {  	s2 =	simm.s32 $0x2800  }
0x101: {  	[tilespmem:s2], [sflag:$0x2] =	stream.indirect.gather [hbm4b:s7+s15], $0x1, s21, s15, $0xb8;
	[tilespmem:$0x5800] =	vst v63  }
0x102: {  	s3 =	simm.s32 $0x2A00  }
0x103: {  	[tilespmem:s3], [sflag:$0x2] =	stream.indirect.gather [hbm4b:s8+s15], $0x1, s22, s15, $0xb8;
	[tilespmem:$0x5800] =	vst v63  }
0x104: {  	s2 =	simm.s32 $0x2C00  }
0x105: {  	[tilespmem:s2], [sflag:$0x2] =	stream.indirect.gather [hbm4b:s9+s15], $0x1, s23, s15, $0xb8;
	[tilespmem:$0x5800] =	vst v63  }
0x106: {  	s3 =	simm.s32 $0x2E00  }
0x107: {  	[tilespmem:s3], [sflag:$0x2] =	stream.indirect.gather [hbm4b:s10+s15], $0x1, s24, s15, $0xb8;
	[tilespmem:$0x5800] =	vst v63  }
0x108: {  	s2 =	simm.s32 $0x3000  }
0x109: {  	[tilespmem:s2], [sflag:$0x2] =	stream.indirect.gather [hbm4b:s11+s15], $0x1, s25, s15, $0xb8;
	[tilespmem:$0x5800] =	vst v63  }
0x10a: {  	s3 =	simm.s32 $0x3200  }
0x10b: {  	[tilespmem:s3], [sflag:$0x2] =	stream.indirect.gather [hbm4b:s12+s15], $0x1, s26, s15, $0xb8;
	[tilespmem:$0x5800] =	vst v63  }
0x10c: {  	_ =	swait.ge [sflag:s29], $0x200  }
0x10d: {  	[sflag:s29] =	ssyncset.done $0x0  }
0x10e: {  	[sflag:s29] =	ssyncadd.s32 $0xFFFFFE00  }
0x10f: {  	_ =	swait.ge [sflag:s29], $0x200  }
0x110: {  	[sflag:s29] =	ssyncset.done $0x0  }
0x111: {  	[sflag:s29] =	ssyncadd.s32 $0xFFFFFE00  }
0x112: {  	_ =	swait.ge [sflag:s29], $0x200  }
0x113: {  	[sflag:s29] =	ssyncset.done $0x0  }
0x114: {  	[sflag:s29] =	ssyncadd.s32 $0xFFFFFE00  }
0x115: {  	_ =	swait.ge [sflag:s29], $0x200  }
0x116: {  	[sflag:s29] =	ssyncset.done $0x0  }
0x117: {  	[sflag:s29] =	ssyncadd.s32 $0xFFFFFE00  }
0x118: {  	_ =	swait.ge [sflag:s29], $0x200  }
0x119: {  	[sflag:s29] =	ssyncset.done $0x0  }
0x11a: {  	[sflag:s29] =	ssyncadd.s32 $0xFFFFFE00  }
0x11b: {  	_ =	swait.ge [sflag:s29], $0x200  }
0x11c: {  	[sflag:s29] =	ssyncset.done $0x0  }
0x11d: {  	[sflag:s29] =	ssyncadd.s32 $0xFFFFFE00  }
0x11e: {  	_ =	swait.ge [sflag:s29], $0x200  }
0x11f: {  	[sflag:s29] =	ssyncset.done $0x0  }
0x120: {  	[sflag:s29] =	ssyncadd.s32 $0xFFFFFE00  }
0x121: {  	_ =	swait.ge [sflag:s29], $0x200  }
0x122: {  	[sflag:s29] =	ssyncset.done $0x0  }
0x123: {  	[sflag:s29] =	ssyncadd.s32 $0xFFFFFE00  }
0x124: {  	_ =	swait.ge [sflag:s29], $0x200  }
0x125: {  	[sflag:s29] =	ssyncset.done $0x0  }
0x126: {  	[sflag:s29] =	ssyncadd.s32 $0xFFFFFE00  }
0x127: {  	_ =	swait.ge [sflag:s29], $0x200  }
0x128: {  	[sflag:s29] =	ssyncset.done $0x0  }
0x129: {  	[sflag:s29] =	ssyncadd.s32 $0xFFFFFE00  }
0x12a: {  	_ =	swait.ge [sflag:s29], $0x200  }
0x12b: {  	[sflag:s29] =	ssyncset.done $0x0  }
0x12c: {  	[sflag:s29] =	ssyncadd.s32 $0xFFFFFE00  }
0x12d: {  	_ =	swait.ge [sflag:s29], $0x200  }
0x12e: {  	[sflag:s29] =	ssyncset.done $0x0  }
0x12f: {  	[sflag:s29] =	ssyncadd.s32 $0xFFFFFE00  }
0x130: {  	_ =	swait.ge [sflag:s29], $0x200  }
0x131: {  	[sflag:s29] =	ssyncset.done $0x0  }
0x132: {  	s2 =	simm.s32 $0x0;
	[sflag:s29] =	ssyncadd.s32 $0xFFFFFE00  }
0x133: {  	v0 =	vld [tilespmem:s2+$0x1A00]  }
0x134: {  	v1 =	vld [tilespmem:s2+$0x1C00];
	_ =	sdelay $0x1  }
0x135: {  	v2 =	vld [tilespmem:s2+$0x1E00];
	_ =	sdelay $0x1  }
0x136: {  	v3 =	vld [tilespmem:s2+$0x2000]  }
0x137: {  	v0 =	vadd.f32 v1, v0  }
0x138: {  	v4 =	vld [tilespmem:s2+$0x2200]  }
0x139: {  	v1 =	vadd.f32 v2, v0  }
0x13a: {  	v5 =	vld [tilespmem:s2+$0x2400]  }
0x13b: {  	v6 =	vld [tilespmem:s2+$0x2600];
	v2 =	vadd.f32 v3, v1  }
0x13c: {  	v7 =	vld [tilespmem:s2+$0x2800]  }
0x13d: {  	v8 =	vld [tilespmem:s2+$0x2C00];
	v3 =	vadd.f32 v4, v2  }
0x13e: {  	v9 =	vld [tilespmem:s2+$0x3200]  }
0x13f: {  	v10 =	vld [tilespmem:s2+$0x3400];
	v4 =	vadd.f32 v5, v3  }
0x140: {  	v5 =	vld [tilespmem:s2+$0x2A00]  }
0x141: {  	v11 =	vld [tilespmem:s2+$0x3600];
	v6 =	vadd.f32 v6, v4  }
0x142: {  	v12 =	vld [tilespmem:s2+$0x3800]  }
0x143: {  	v13 =	vld [tilespmem:s2+$0x3A00];
	v6 =	vadd.f32 v7, v6  }
0x144: {  	v7 =	vld [tilespmem:s2+$0x2E00]  }
0x145: {  	v14 =	vld [tilespmem:s2+$0x3E00];
	v5 =	vadd.f32 v5, v6  }
0x146: {  	v6 =	vld [tilespmem:s2+$0x3000]  }
0x147: {  	v0 =	vld [tilespmem:s2+$0x4C00];
	v5 =	vadd.f32 v8, v5  }
0x148: {  	v8 =	vld [tilespmem:$0x4E00]  }
0x149: {  	v1 =	vld [tilespmem:s2+$0x4A00];
	v5 =	vadd.f32 v7, v5  }
0x14a: {  	v7 =	vld [tilespmem:$0x4E80]  }
0x14b: {  	v2 =	vld [tilespmem:s2+$0x4800];
	v5 =	vadd.f32 v6, v5  }
0x14c: {  	v6 =	vld [tilespmem:$0x4F00]  }
0x14d: {  	v3 =	vld [tilespmem:s2+$0x4600];
	v8 =	vmul.f32 v8, v10;
	v5 =	vadd.f32 v9, v5  }
0x14e: {  	v9 =	vld [tilespmem:$0x4F80]  }
0x14f: {  	v10 =	vld [tilespmem:s2+$0x3C00];
	v7 =	vmul.f32 v7, v11;
	v5 =	vadd.f32 v8, v5  }
0x150: {  	v11 =	vld [tilespmem:$0x5000]  }
0x151: {  	v4 =	vld [tilespmem:s2+$0x4400];
	v5 =	vadd.f32 v7, v5;
	v7 =	vmul.f32 v6, v12  }
0x152: {  	v12 =	vld [tilespmem:$0x5080]  }
0x153: {  	v8 =	vld [tilespmem:$0x5100];
	v9 =	vmul.f32 v9, v13;
	v5 =	vadd.f32 v7, v5  }
0x154: {  	v6 =	vld [tilespmem:s2+$0x4000]  }
0x155: {  	v7 =	vld [tilespmem:s2+$0x4200];
	v10 =	vmul.f32 v11, v10;
	v13 =	vadd.f32 v9, v5  }
0x156: {  	s3 =	simm.s32 $0x10;
	v9 =	vld [tilespmem:$0x5180]  }
0x157: {  	v5 =	vld [tilespmem:s3+$0x1A00];
	v12 =	vmul.f32 v12, v14;
	v11 =	vadd.f32 v10, v13  }
0x158: {  	s0 =	simm.s32 $0x80;
	v10 =	vld [tilespmem:$0x5200]  }
.LBB3_2:
0x159: {  	p0 =	sne.s32 s0, $0x7C0;
	v13 =	vld [tilespmem:s3+$0x1C00];
	v11 =	vadd.f32 v12, v11;
	v6 =	vmul.f32 v8, v6  }
0x15a: {  	v8 =	vld [tilespmem:$0x5280]  }
0x15b: {  	v12 =	vld [tilespmem:s3+$0x1E00];
	v6 =	vadd.f32 v6, v11;
	v7 =	vmul.f32 v9, v7  }
0x15c: {  	v9 =	vld [tilespmem:$0x5300]  }
0x15d: {  	v11 =	vld [tilespmem:s3+$0x2000];
	v6 =	vadd.f32 v7, v6;
	v4 =	vmul.f32 v10, v4  }
0x15e: {  	v5 =	vadd.f32 v13, v5;
	v7 =	vld [tilespmem:$0x5380]  }
0x15f: {  	v10 =	vld [tilespmem:s3+$0x2200];
	v4 =	vadd.f32 v4, v6;
	v3 =	vmul.f32 v8, v3  }
0x160: {  	v5 =	vadd.f32 v12, v5;
	v6 =	vld [tilespmem:$0x5400]  }
0x161: {  	v8 =	vld [tilespmem:s3+$0x2400];
	v3 =	vadd.f32 v3, v4;
	v2 =	vmul.f32 v9, v2  }
0x162: {  	v4 =	vadd.f32 v11, v5;
	v5 =	vld [tilespmem:s3+$0x4C00]  }
0x163: {  	v9 =	vld [tilespmem:s3+$0x2600];
	v2 =	vadd.f32 v2, v3;
	v3 =	vmul.f32 v7, v1  }
0x164: {  	v4 =	vadd.f32 v10, v4;
	v1 =	vld [tilespmem:s3+$0x4A00]  }
0x165: {  	v7 =	vld [tilespmem:s3+$0x2800];
	v3 =	vadd.f32 v3, v2;
	v10 =	vmul.f32 v6, v0  }
0x166: {  	v4 =	vadd.f32 v8, v4;
	v2 =	vld [tilespmem:s3+$0x4800]  }
0x167: {  	v6 =	vld [tilespmem:s3+$0x2A00];
	v8 =	vadd.f32 v10, v3;
	v0 =	vmov v5  }
0x168: {  	v4 =	vadd.f32 v9, v4;
	v3 =	vld [tilespmem:s3+$0x4600]  }
0x169: {  	v5 =	vld [tilespmem:s3+$0x2C00];
	[tilespmem:s2+$0x5600] =	vst v8;
	s2 =	smov.u32 s3  }
0x16a: {  	v7 =	vadd.f32 v7, v4;
	v4 =	vld [tilespmem:s2+$0x4400]  }
0x16b: {  	v8 =	vld [tilespmem:s2+$0x2E00]  }
0x16c: {  	v6 =	vadd.f32 v6, v7;
	v7 =	vld [tilespmem:s2+$0x3200]  }
0x16d: {  	v9 =	vld [tilespmem:s2+$0x3000]  }
0x16e: {  	v5 =	vadd.f32 v5, v6;
	v6 =	vld [tilespmem:s2+$0x3400]  }
0x16f: {  	v10 =	vld [tilespmem:$0x4E00]  }
0x170: {  	v5 =	vadd.f32 v8, v5;
	v8 =	vld [tilespmem:s2+$0x3600]  }
0x171: {  	v11 =	vld [tilespmem:$0x4E80]  }
0x172: {  	v5 =	vadd.f32 v9, v5;
	v9 =	vld [tilespmem:s2+$0x3800]  }
0x173: {  	v12 =	vld [tilespmem:$0x4F00]  }
0x174: {  	v5 =	vadd.f32 v7, v5;
	v6 =	vmul.f32 v10, v6;
	v7 =	vld [tilespmem:s2+$0x3A00]  }
0x175: {  	v10 =	vld [tilespmem:$0x4F80]  }
0x176: {  	v5 =	vadd.f32 v6, v5;
	v6 =	vmul.f32 v11, v8;
	v11 =	vld [tilespmem:s2+$0x3C00]  }
0x177: {  	v13 =	vld [tilespmem:$0x5000]  }
0x178: {  	v5 =	vadd.f32 v6, v5;
	v6 =	vmul.f32 v12, v9;
	v12 =	vld [tilespmem:s2+$0x3E00]  }
0x179: {  	v14 =	vld [tilespmem:$0x5080]  }
0x17a: {  	v5 =	vadd.f32 v6, v5;
	v7 =	vmul.f32 v10, v7;
	v6 =	vld [tilespmem:s2+$0x4000]  }
.Ltmp0:
0x17b: {  	v8 =	vld [tilespmem:$0x5100];
	(pc) =	sbr.rel @p0 .LBB3_2-.Ltmp0, $4  }
0x17c: {  	v10 =	vadd.f32 v7, v5;
	v11 =	vmul.f32 v13, v11;
	v7 =	vld [tilespmem:s2+$0x4200]  }
0x17d: {  	s3 =	sshra.s32 s0, $0x2;
	v9 =	vld [tilespmem:$0x5180]  }
0x17e: {  	v5 =	vld [tilespmem:s3+$0x1A00];
	v11 =	vadd.f32 v11, v10;
	v12 =	vmul.f32 v14, v12  }
0x17f: {  	s0 =	sadd.s32 $0x40, s0;
	v10 =	vld [tilespmem:$0x5200]  }
0x180: {  	v13 =	vld [tilespmem:s3+$0x1C00]  }
0x181: {  	v11 =	vadd.f32 v12, v11;
	v6 =	vmul.f32 v8, v6;
	v54 =	vld [tilespmem:$0x5280]  }
0x182: {  	v55 =	vld [tilespmem:s3+$0x1E00]  }
0x183: {  	v56 =	vld [tilespmem:$0x5300];
	v6 =	vadd.f32 v6, v11;
	v7 =	vmul.f32 v9, v7  }
0x184: {  	v57 =	vld [tilespmem:s3+$0x2000]  }
0x185: {  	v58 =	vld [tilespmem:$0x5380];
	v6 =	vadd.f32 v7, v6;
	v4 =	vmul.f32 v10, v4;
	v5 =	vadd.f32 v13, v5  }
0x186: {  	v59 =	vld [tilespmem:s3+$0x2200]  }
0x187: {  	v60 =	vld [tilespmem:$0x5400];
	v3 =	vmul.f32 v54, v3;
	v4 =	vadd.f32 v4, v6;
	v5 =	vadd.f32 v55, v5  }
0x188: {  	v61 =	vld [tilespmem:s3+$0x2400]  }
0x189: {  	v2 =	vmul.f32 v56, v2;
	v3 =	vadd.f32 v3, v4;
	v62 =	vadd.f32 v57, v5  }
0x18a: {  	v16 =	vld [tilespmem:s3+$0x2600]  }
0x18b: {  	v63 =	vld [tilespmem:s3+$0x4C00];
	v1 =	vmul.f32 v58, v1;
	v2 =	vadd.f32 v2, v3;
	v17 =	vadd.f32 v59, v62  }
0x18c: {  	v19 =	vld [tilespmem:s3+$0x2800]  }
0x18d: {  	v18 =	vld [tilespmem:s3+$0x4A00];
	v0 =	vmul.f32 v60, v0;
	v1 =	vadd.f32 v1, v2;
	v20 =	vadd.f32 v61, v17  }
0x18e: {  	v22 =	vld [tilespmem:s3+$0x2A00]  }
0x18f: {  	v21 =	vld [tilespmem:s3+$0x4800];
	v0 =	vadd.f32 v0, v1;
	v23 =	vadd.f32 v16, v20  }
0x190: {  	v25 =	vld [tilespmem:s3+$0x2C00]  }
0x191: {  	v24 =	vld [tilespmem:s3+$0x4600];
	[tilespmem:s2+$0x5600] =	vst v0;
	v26 =	vadd.f32 v19, v23  }
0x192: {  	v27 =	vld [tilespmem:s3+$0x2E00]  }
0x193: {  	v28 =	vld [tilespmem:s3+$0x3200];
	v0 =	vadd.f32 v22, v26  }
0x194: {  	v29 =	vld [tilespmem:s3+$0x3000]  }
0x195: {  	v30 =	vld [tilespmem:s3+$0x3400];
	v0 =	vadd.f32 v25, v0  }
0x196: {  	v31 =	vld [tilespmem:$0x4E00]  }
0x197: {  	v32 =	vld [tilespmem:s3+$0x3600];
	v0 =	vadd.f32 v27, v0  }
0x198: {  	v33 =	vld [tilespmem:$0x4E80]  }
0x199: {  	v34 =	vld [tilespmem:s3+$0x3800];
	v0 =	vadd.f32 v29, v0  }
0x19a: {  	v35 =	vld [tilespmem:$0x4F00]  }
0x19b: {  	v37 =	vld [tilespmem:s3+$0x3A00];
	v36 =	vmul.f32 v31, v30;
	v0 =	vadd.f32 v28, v0  }
0x19c: {  	v38 =	vld [tilespmem:$0x4F80]  }
0x19d: {  	v39 =	vld [tilespmem:s3+$0x3C00];
	v1 =	vmul.f32 v33, v32;
	v0 =	vadd.f32 v36, v0  }
0x19e: {  	v40 =	vld [tilespmem:$0x5000]  }
0x19f: {  	v42 =	vld [tilespmem:s3+$0x3E00];
	v41 =	vmul.f32 v35, v34;
	v0 =	vadd.f32 v1, v0  }
0x1a0: {  	v43 =	vld [tilespmem:$0x5080]  }
0x1a1: {  	v45 =	vld [tilespmem:s3+$0x4000];
	v44 =	vmul.f32 v38, v37;
	v0 =	vadd.f32 v41, v0  }
0x1a2: {  	v46 =	vld [tilespmem:$0x5100]  }
0x1a3: {  	v48 =	vld [tilespmem:s3+$0x4200];
	v47 =	vmul.f32 v40, v39;
	v0 =	vadd.f32 v44, v0  }
0x1a4: {  	v49 =	vld [tilespmem:$0x5180]  }
0x1a5: {  	v50 =	vld [tilespmem:s3+$0x4400];
	v51 =	vmul.f32 v43, v42;
	v0 =	vadd.f32 v47, v0  }
0x1a6: {  	v52 =	vld [tilespmem:$0x5200]  }
0x1a7: {  	v53 =	vmul.f32 v46, v45;
	v0 =	vadd.f32 v51, v0  }
0x1a8: {  	v54 =	vld [tilespmem:$0x5280]  }
0x1a9: {  	v55 =	vmul.f32 v49, v48;
	v0 =	vadd.f32 v53, v0  }
0x1aa: {  	v56 =	vld [tilespmem:$0x5300]  }
0x1ab: {  	v57 =	vmul.f32 v52, v50;
	v0 =	vadd.f32 v55, v0  }
0x1ac: {  	v58 =	vld [tilespmem:$0x5380]  }
0x1ad: {  	v59 =	vmul.f32 v54, v24;
	v0 =	vadd.f32 v57, v0  }
0x1ae: {  	v60 =	vld [tilespmem:$0x5400]  }
0x1af: {  	v61 =	vmul.f32 v56, v21;
	v0 =	vadd.f32 v59, v0;
	_ =	sdelay $0x1  }
0x1b0: {  	v62 =	vmul.f32 v58, v18;
	v0 =	vadd.f32 v61, v0;
	_ =	sdelay $0x1  }
0x1b1: {  	v63 =	vmul.f32 v60, v63;
	v0 =	vadd.f32 v62, v0;
	_ =	sdelay $0x1  }
0x1b2: {  	s31 =	sadd.s32 $0x1, s31;
	v0 =	vadd.f32 v63, v0  }
0x1b3: {  	p0 =	sne.s32 s31, s14  }
.Ltmp1:
0x1b4: {  	s0 =	simm.s32 $0x5600;
	[tilespmem:s3+$0x5600] =	vst v0;
	(pc) =	sbr.rel @p0 .LBB3_1-.Ltmp1, $4  }
0x1b5: {  	[hbm4b:s13+s1] =	stream.linear.scatter [tilespmem:s0], [sflag:$0x3], $0x200, $0x38;
	[tilespmem:$0x5800] =	vst v63  }
0x1b6: {  	_ =	swait.ge [sflag:s30], $0x200  }
0x1b7: {  	[sflag:s30] =	ssyncset.done $0x0  }
0x1b8: {  	[sflag:s30] =	ssyncadd.s32 $0xFFFFFE00  }
0x1b9: {  	_ =	sfence.sel $0x180000  }
0x1ba: {  	[bflag:$0x0] =	sbarrier.arrive $0xFFFF  }
0x1bb: {  	_ =	strace $0x90000047  }
0x1bc: {  	s0 =	stileid.u32;
	[bflag:$0x2] =	sbarrier.arrive $0xFFFF  }
0x1bd: {  	p0 =	sne.s32 s0, $0x0;
	s0 =	rddreg [dreg:$0xe]  }
0x1be: {  	s0 =	sadd.s32 @!p0 $0x100000, s0  }
0x1bf: {  	[sflag:s0] =	ssyncadd.tile.s32 @!p0 $0x1;
	_ =	shalt  }
.Lfunc_end3:
_tile_overlayer_lowered:
.L_overlay_start_3:
0x1c0: {  	(tag) =	ssettag $0x3  }
0x1c1: {  	s0 =	rddreg [dreg:$0x0];
	s2 =	stileid.u32  }
0x1c2: {  	s1 =	rddreg [dreg:$0x1];
	p0 =	sne.s32 s2, $0x0  }
0x1c3: {  	s3 =	rddreg [dreg:$0x2];
	[bflag:$0x3] =	sbarrier.arrive $0xFFFF;
	s2 =	simm.s32 @!p0 $0x1C03  }
0x1c4: {  	[timem:s3], [sflag:s2] =	dma.local @!p0 [hbm:s0], s1  }
0x1c5: {  	s0 =	simm.s32 @!p0 $0x3  }
0x1c6: {  	_ =	swait.ge @!p0 [sflag:s0], s1  }
0x1c7: {  	s1 =	ssub.s32 @!p0 $0x0, s1;
	[sflag:s0] =	ssyncset.done @!p0 $0x0  }
0x1c8: {  	[sflag:s0] =	ssyncadd.s32 @!p0 s1  }
0x1c9: {  	[bflag:$0x3] =	sbarrier.arrive $0xFFFF  }
0x1ca: {  	_ =	shalt  }

// kernel: kernel.7.cloned.1.call-start
scs
__scs_entry_jumppad:
0x0: {  	(pc) =	sbr.rel $0x88, $3  }
0x1: {  	(tag) =	ssettag $0x0;
	lr =	simm.s32 $0x1  }
0x2: {  	[smem:$0x3F5F] =	sst lr;
	_ =	strace $0xD0000000  }
0x3: {  	_ = 	snop  }
0x4: {  	_ = 	snop  }
0x5: {  	_ = 	snop  }
0x6: {  	_ = 	snop  }
0x7: {  	_ = 	snop  }
__scs_overlays_trampoline_lowered:
0x8: {  	[smem:$0x3F6E] =	sst s0  }
0x9: {  	[smem:$0x3F6F] =	sst s1  }
0xa: {  	[smem:$0x3F70] =	sst s2  }
0xb: {  	[smem:$0x3F71] =	sst s3  }
0xc: {  	[smem:$0x3F72] =	sst s4  }
0xd: {  	[smem:$0x3F73] =	sst s5  }
0xe: {  	[smem:$0x3F74] =	sst s6  }
0xf: {  	[smem:$0x3F75] =	sst s7  }
0x10: {  	[smem:$0x3F76] =	sst s8  }
0x11: {  	[smem:$0x3F77] =	sst s9;
	s0 =	simm.s32 @!p0 $0x0  }
0x12: {  	s1 =	sld [smem:$0x3F5D];
	s0 =	simm.s32 @p0 $0x1  }
0x13: {  	[smem:$0x3F78] =	sst s0;
	s0 =	simm.s32 @!p1 $0x0  }
0x14: {  	s2 =	sld [smem:$0x3F5C];
	s0 =	simm.s32 @p1 $0x1  }
0x15: {  	[smem:$0x3F79] =	sst s0;
	s0 =	simm.s32 @!p2 $0x0  }
0x16: {  	s3 =	sld [smem:$0x3FDB];
	s0 =	simm.s32 @p2 $0x1  }
0x17: {  	s4 =	simm.s32 $0x1BF5;
	[smem:$0x3F7B] =	sst s0  }
0x18: {  	s0 =	sld [smem:$0x3F5E];
	_ =	swait.ge [sflag:s4], $0x0  }
0x19: {  	s7 =	sld [smem:$0x3F5F]  }
0x1a: {  	s8 =	sadd.s32 $0xFFFFE003, lr  }
0x1b: {  	s9 =	sadd.s32 $0xFFFFFEF7, lr;
	s5 =	simm.s32 $0xFFFFFFFF;
	p2 =	slt.u32 s8, $0xFFFFF086  }
0x1c: {  	p1 =	slt.u32 s9, $0xF7A;
	s5 =	simm.s32 @!p2 $0x0  }
0x1d: {  	s5 =	simm.s32 @p1 $0x1;
	p0 =	seq.s32 s7, s2  }
0x1e: {  	s7 =	smul.u32 @!p0 $0xF7A, s2;
	p2 =	seq.s32 @!p0 s5, $0x0  }
0x1f: {  	s9 =	smul.u32 $0xF7A, s1;
	s8 =	simm.s32 @!p0 $0x1BF5;
	p2 =	por !p2, p0  }
0x20: {  	[sflag:s8] =	ssyncset.s32 @!p0 $0xFFFFF086;
	s6 =	sadd.s32 @!p0 s3, s7;
	s7 =	simm.s32 @!p0 $0x108  }
0x21: {  	s3 =	sadd.s32 s3, s9;
	s6 =	sadd.s32 @!p0 $0x88, s6;
	s7 =	simm.s32 @p2 $0x1082  }
0x22: {  	[simem:s7], [sflag:s8] =	dma.local @!p0 [hbm:s6], $0xF7A  }
0x23: {  	s9 =	sor.u32 $0xD0000000, s2;
	s6 =	simm.s32 $0x108;
	_ =	swait.ge @!p0 [sflag:s8], $0x0  }
0x24: {  	s3 =	sadd.s32 $0x88, s3;
	s6 =	simm.s32 @!p1 $0x1082;
	[sflag:s4] =	ssyncset.s32 $0xFFFFF086  }
0x25: {  	[simem:s6], [sflag:s4] =	dma.local [hbm:s3], $0xF7A  }
0x26: {  	[smem:$0x3F5F] =	sst s1;
	(tag) =	ssettag s2;
	_ =	strace s9  }
0x27: {  	s1 =	sld [smem:$0x3F6F]  }
0x28: {  	s2 =	sld [smem:$0x3F70]  }
0x29: {  	s4 =	sld [smem:$0x3F72]  }
0x2a: {  	p0 =	seq.s32 s5, $0x0;
	s5 =	sld [smem:$0x3F73]  }
0x2b: {  	s6 =	sld [smem:$0x3F74]  }
0x2c: {  	s7 =	sld [smem:$0x3F75]  }
0x2d: {  	s3 =	simm.s32 $0x108;
	s8 =	sld [smem:$0x3F76]  }
0x2e: {  	s3 =	simm.s32 @!p0 $0x1082;
	s9 =	sld [smem:$0x3F77]  }
0x2f: {  	lr =	sadd.s32 s0, s3;
	s0 =	sld [smem:$0x3F6E]  }
0x30: {  	s3 =	sld [smem:$0x3F71]  }
0x31: {  	[smem:$0x3F7A] =	sst s10  }
0x32: {  	s10 =	sld [smem:$0x3F78];
	_ =	sdelay $0x3  }
0x33: {  	p0 =	seq.s32 s10, $0x1;
	s10 =	sld [smem:$0x3F7A];
	_ =	sdelay $0x3  }
0x34: {  	[smem:$0x3F7A] =	sst s10  }
0x35: {  	s10 =	sld [smem:$0x3F79];
	_ =	sdelay $0x3  }
0x36: {  	p1 =	seq.s32 s10, $0x1;
	s10 =	sld [smem:$0x3F7A];
	_ =	sdelay $0x3  }
0x37: {  	[smem:$0x3F7A] =	sst s10  }
0x38: {  	s10 =	sld [smem:$0x3F7B]  }
0x39: {  	_ = 	snop;
	(pc) =	sbr.ind lr, $3  }
0x3a: {  	_ = 	snop  }
0x3b: {  	_ = 	snop  }
0x3c: {  	p2 =	seq.s32 s10, $0x1;
	s10 =	sld [smem:$0x3F7A]  }
0x3d: {  	_ =	shalt  }
0x3e: {  	_ =	shalt  }
0x3f: {  	_ =	shalt  }
0x40: {  	_ =	shalt  }
0x41: {  	_ =	shalt  }
0x42: {  	_ =	shalt  }
0x43: {  	_ =	shalt  }
0x44: {  	_ =	shalt  }
0x45: {  	_ =	shalt  }
0x46: {  	_ =	shalt  }
0x47: {  	_ =	shalt  }
0x48: {  	_ =	shalt  }
0x49: {  	_ =	shalt  }
0x4a: {  	_ =	shalt  }
0x4b: {  	_ =	shalt  }
0x4c: {  	_ =	shalt  }
0x4d: {  	_ =	shalt  }
0x4e: {  	_ =	shalt  }
0x4f: {  	_ =	shalt  }
0x50: {  	_ =	shalt  }
0x51: {  	_ =	shalt  }
0x52: {  	_ =	shalt  }
0x53: {  	_ =	shalt  }
0x54: {  	_ =	shalt  }
0x55: {  	_ =	shalt  }
0x56: {  	_ =	shalt  }
0x57: {  	_ =	shalt  }
0x58: {  	_ =	shalt  }
0x59: {  	_ =	shalt  }
0x5a: {  	_ =	shalt  }
0x5b: {  	_ =	shalt  }
0x5c: {  	_ =	shalt  }
0x5d: {  	_ =	shalt  }
0x5e: {  	_ =	shalt  }
0x5f: {  	_ =	shalt  }
0x60: {  	_ =	shalt  }
0x61: {  	_ =	shalt  }
0x62: {  	_ =	shalt  }
0x63: {  	_ =	shalt  }
0x64: {  	_ =	shalt  }
0x65: {  	_ =	shalt  }
0x66: {  	_ =	shalt  }
0x67: {  	_ =	shalt  }
0x68: {  	_ =	shalt  }
0x69: {  	_ =	shalt  }
0x6a: {  	_ =	shalt  }
0x6b: {  	_ =	shalt  }
0x6c: {  	_ =	shalt  }
0x6d: {  	_ =	shalt  }
0x6e: {  	_ =	shalt  }
0x6f: {  	_ =	shalt  }
0x70: {  	_ =	shalt  }
0x71: {  	_ =	shalt  }
0x72: {  	_ =	shalt  }
0x73: {  	_ =	shalt  }
0x74: {  	_ =	shalt  }
0x75: {  	_ =	shalt  }
0x76: {  	_ =	shalt  }
0x77: {  	_ =	shalt  }
0x78: {  	_ =	shalt  }
0x79: {  	_ =	shalt  }
0x7a: {  	_ =	shalt  }
0x7b: {  	_ =	shalt  }
0x7c: {  	_ =	shalt  }
0x7d: {  	_ =	shalt  }
0x7e: {  	_ =	shalt  }
0x7f: {  	_ =	shalt  }
0x80: {  	_ =	shalt  }
0x81: {  	_ =	shalt  }
0x82: {  	_ =	shalt  }
0x83: {  	_ =	shalt  }
0x84: {  	_ =	shalt  }
0x85: {  	_ =	shalt  }
0x86: {  	_ =	shalt  }
0x87: {  	_ =	shalt  }
.Lfunc_end0:
.L_simem_size_0:
called_computation.1_lowered:
.L_overlay_start_0:
0x88: {  	s2 =	sld [smem:$0x3FD9]  }
0x89: {  	s3 =	sld [smem:$0x3FFE];
	_ =	sdelay $0x1  }
0x8a: {  	s1 =	srdreg.scid  }
0x8b: {  	s0 =	sand.u32 $0x1, s1  }
0x8c: {  	s24 =	sshll.u32 s0, $0xA;
	s2 =	sadd.s32 s3, s2  }
0x8d: {  	s2 =	sadd.s32 s2, s24  }
0x8e: {  	[smem:$0x3F86] =	sst s2  }
0x8f: {  	_ = 	snop  }
0x90: {  	s2 =	sld [smem:$0x3FBC]  }
0x91: {  	s3 =	sld [smem:$0x3FBB]  }
0x92: {  	s4 =	sld [smem:$0x3FBA]  }
0x93: {  	s5 =	sld [smem:$0x3FB9]  }
0x94: {  	s6 =	sld [smem:$0x3FB8]  }
0x95: {  	s7 =	sld [smem:$0x3FB7]  }
0x96: {  	s8 =	sld [smem:$0x3FB6]  }
0x97: {  	s9 =	sld [smem:$0x3FB5]  }
0x98: {  	s10 =	sld [smem:$0x3FB4]  }
0x99: {  	s11 =	sld [smem:$0x3FB3]  }
0x9a: {  	s12 =	sld [smem:$0x3FB2]  }
0x9b: {  	s13 =	sld [smem:$0x3FB1]  }
0x9c: {  	s14 =	sld [smem:$0x3FB0]  }
0x9d: {  	s16 =	sld [smem:$0x3FD0];
	(tm) =	ssettm $0x1  }
0x9e: {  	s15 =	sld [smem:$0x3FFB];
	_ =	sdelay $0x3  }
0x9f: {  	_ =	strace s15  }
0xa0: {  	s15 =	sld [smem:$0x3FFC];
	_ =	sdelay $0x3  }
0xa1: {  	_ =	strace s15  }
0xa2: {  	s15 =	sld [smem:$0x3FFD];
	_ =	sdelay $0x3  }
0xa3: {  	_ =	strace s15  }
0xa4: {  	_ =	strace $0x8FFFFFFF  }
0xa5: {  	s25 =	sld [smem:$0x3FDB];
	_ =	sdelay $0x1  }
0xa6: {  	s17 =	simm.s32 $_scs_section_size  }
0xa7: {  	s18 =	simm.s32 $_size__tile_task_arg_handler_lowered;
	s19 =	simm.s32 $_tile_task_arg_handler_lowered  }
0xa8: {  	s29 =	simm.s32 $0x1BFF;
	s28 =	sshll.u32 s19, $0x1;
	s17 =	sadd.s32 s17, s25  }
0xa9: {  	s20 =	simm.s32 $0x60;
	s26 =	sshll.u32 s18, $0x1;
	s18 =	sadd.s32 s28, s17  }
0xaa: {  	[timem:s20], [sflag:s29] =	dma.local [hbm:s18], s26  }
0xab: {  	_ =	swait.ge [sflag:s29], s26  }
0xac: {  	s30 =	simm.s32 $_tile_overlayer_lowered;
	s15 =	ssub.s32 $0x0, s26;
	[sflag:s29] =	ssyncset.done $0x0  }
0xad: {  	s31 =	simm.s32 $_size__tile_overlayer_lowered;
	s18 =	sshll.u32 s30, $0x1;
	[sflag:s29] =	ssyncadd.s32 s15  }
0xae: {  	s21 =	simm.s32 $0x0;
	s18 =	sadd.s32 s18, s17;
	s15 =	sshll.u32 s31, $0x1  }
0xaf: {  	[timem:s21], [sflag:s29] =	dma.local [hbm:s18], s15  }
0xb0: {  	_ =	swait.ge [sflag:s29], s15  }
0xb1: {  	s22 =	ssub.s32 $0x0, s15;
	[sflag:s29] =	ssyncset.done $0x0  }
0xb2: {  	[sflag:s29] =	ssyncadd.s32 s22;
	_ =	sdelay $0x1  }
0xb3: {  	s23 =	simm.s32 $0x1B8B  }
0xb4: {  	_ =	swait.ge [sflag:s23], $0x1  }
0xb5: {  	[sflag:s23] =	ssyncset.done $0x0  }
0xb6: {  	s25 =	simm.s32 $0x1B8E;
	s24 =	sld [smem:$0x3FFE];
	[sflag:s23] =	ssyncadd.s32 $0xFFFFFFFF  }
0xb7: {  	s26 =	simm.s32 $execute0_lowered;
	[smem:$0x3FD2] =	sst s25  }
0xb8: {  	s19 =	sshll.u32 s26, $0x1;
	_ =	strace $0x80000049;
	[dreg:$0x1] =	wrdreg $0xFFFFFFFF  }
0xb9: {  	s28 =	simm.s32 $_size_execute0_lowered;
	s17 =	sadd.s32 s17, s19;
	[dreg:$0x0] =	wrdreg $0x0  }
0xba: {  	s19 =	sshll.u32 s28, $0x1;
	[dreg:$0x2] =	wrdreg s17  }
0xbb: {  	[dreg:$0x3] =	wrdreg s19  }
0xbc: {  	[dreg:$0x4] =	wrdreg $0xC0  }
0xbd: {  	_ =	task [dreg:s21], $0x5FFFF  }
0xbe: {  	[dreg:$0x1] =	wrdreg $0xFFFFFFFF  }
0xbf: {  	[dreg:$0x0] =	wrdreg $0x30  }
0xc0: {  	[dreg:$0x2] =	wrdreg $0x0  }
0xc1: {  	[dreg:$0x3] =	wrdreg s16  }
0xc2: {  	[dreg:$0x4] =	wrdreg $0x9  }
0xc3: {  	_ =	task [dreg:s21], $0x5FFFF  }
0xc4: {  	[dreg:$0x1] =	wrdreg $0xFFFFFFFF  }
0xc5: {  	[dreg:$0x0] =	wrdreg $0x60  }
0xc6: {  	[dreg:$0x2] =	wrdreg s2  }
0xc7: {  	[dreg:$0x3] =	wrdreg s3  }
0xc8: {  	[dreg:$0x4] =	wrdreg s4  }
0xc9: {  	[dreg:$0x5] =	wrdreg s5  }
0xca: {  	[dreg:$0x6] =	wrdreg s6  }
0xcb: {  	[dreg:$0x7] =	wrdreg s7  }
0xcc: {  	[dreg:$0x8] =	wrdreg s8  }
0xcd: {  	[dreg:$0x9] =	wrdreg s9  }
0xce: {  	[dreg:$0xa] =	wrdreg s10  }
0xcf: {  	[dreg:$0xb] =	wrdreg s11  }
0xd0: {  	[dreg:$0xc] =	wrdreg s12  }
0xd1: {  	[dreg:$0xd] =	wrdreg s13  }
0xd2: {  	[dreg:$0xe] =	wrdreg s14  }
0xd3: {  	[dreg:$0xf] =	wrdreg s24  }
0xd4: {  	_ =	task.clear_ibuf [dreg:s21], $0x10FFFF;
	_ =	strace $0x90000049  }
0xd5: {  	s29 =	simm.s32 $0x9;
	_ =	strace $0x8000004B  }
0xd6: {  	_ =	swait.ge [sflag:s29], $0x1  }
0xd7: {  	[sflag:s29] =	ssyncadd.s32 $0xFFFFFFFF  }
0xd8: {  	_ =	strace $0x9000004B  }
0xd9: {  	_ =	sfence  }
0xda: {  	s30 =	sld [smem:$0x0];
	_ =	sdelay $0x2  }
0xdb: {  	s31 =	sshll.u32 s1, $0xD;
	s1 =	sshrl.u32 s1, $0x2  }
0xdc: {  	s3 =	sand.u32 $0x4000, s31;
	s1 =	sadd.s32 s1, s30  }
0xdd: {  	s0 =	sor.u32 s3, s0;
	s1 =	sshll.u32 s1, $0x11  }
0xde: {  	s0 =	sor.u32 s1, s0  }
0xdf: {  	s0 =	sadd.s32 $0x8F2B, s0  }
0xe0: {  	[sflag:s0] =	ssyncadd.remote.s32 $0x1  }
0xe1: {  	_ =	sfence.sel $0xFFFF  }
0xe2: {  	[dreg:$0x0] =	wrdreg $0xFFFFFFFF;
	(pc) =	sbr.abs _section_cstart, $3  }
0xe3: {  	[dreg:$0x1] =	wrdreg $0xFFFFFFFF  }
0xe4: {  	_ =	task.clear_ibuf [dreg:s21], $0x2FFFF;
	_ =	strace $0x9FFFFFFF  }
0xe5: {  	(tm) =	ssettm $0x7FFFFFFF  }
tec
_tile_task_arg_handler_lowered:
.L_overlay_start_1:
0x0: {  	(tag) =	ssettag $0x1  }
0x1: {  	s0 =	rddreg [dreg:$0x0]  }
0x2: {  	s1 =	rddreg [dreg:$0x1]  }
0x3: {  	s2 =	rddreg [dreg:$0x2]  }
0x4: {  	s3 =	rddreg [dreg:$0x3]  }
0x5: {  	s4 =	rddreg [dreg:$0x4]  }
0x6: {  	s5 =	rddreg [dreg:$0x5]  }
0x7: {  	s6 =	rddreg [dreg:$0x6]  }
0x8: {  	s7 =	rddreg [dreg:$0x7]  }
0x9: {  	s8 =	rddreg [dreg:$0x8]  }
0xa: {  	s9 =	rddreg [dreg:$0x9]  }
0xb: {  	s10 =	rddreg [dreg:$0xa]  }
0xc: {  	s11 =	rddreg [dreg:$0xb]  }
0xd: {  	s12 =	rddreg [dreg:$0xc]  }
0xe: {  	s13 =	rddreg [dreg:$0xd]  }
0xf: {  	[smem:s0] =	sst s1  }
0x10: {  	[smem:s0+$0x1] =	sst s2  }
0x11: {  	[smem:s0+$0x2] =	sst s3  }
0x12: {  	[smem:s0+$0x3] =	sst s4  }
0x13: {  	[smem:s0+$0x4] =	sst s5  }
0x14: {  	[smem:s0+$0x5] =	sst s6  }
0x15: {  	[smem:s0+$0x6] =	sst s7  }
0x16: {  	[smem:s0+$0x7] =	sst s8  }
0x17: {  	[smem:s0+$0x8] =	sst s9  }
0x18: {  	[smem:s0+$0x9] =	sst s10  }
0x19: {  	[smem:s0+$0xA] =	sst s11  }
0x1a: {  	[smem:s0+$0xB] =	sst s12  }
0x1b: {  	[smem:s0+$0xC] =	sst s13;
	_ =	shalt  }
.Lfunc_end2:
execute0_lowered:
.L_overlay_start_2:
0x1c: {  	(tag) =	ssettag $0x2  }
0x1d: {  	s0 =	rddreg [dreg:$0x0]  }
0x1e: {  	s1 =	rddreg [dreg:$0x1]  }
0x1f: {  	s3 =	rddreg [dreg:$0x2]  }
0x20: {  	s4 =	rddreg [dreg:$0x3]  }
0x21: {  	s5 =	rddreg [dreg:$0x4]  }
0x22: {  	s6 =	rddreg [dreg:$0x5]  }
0x23: {  	s7 =	rddreg [dreg:$0x6]  }
0x24: {  	s8 =	rddreg [dreg:$0x7]  }
0x25: {  	s9 =	rddreg [dreg:$0x8]  }
0x26: {  	s10 =	rddreg [dreg:$0x9]  }
0x27: {  	s11 =	rddreg [dreg:$0xa]  }
0x28: {  	s12 =	rddreg [dreg:$0xb]  }
0x29: {  	s13 =	rddreg [dreg:$0xc];
	s2 =	simm.s32 $0x0  }
0x2a: {  	[smem:$0x7FF] =	sst s2  }
0x2b: {  	s15 =	srdreg.scid;
	s17 =	sld [smem:$0x1]  }
0x2c: {  	s14 =	rddreg [dreg:$0xd];
	s18 =	stileid.u32;
	s15 =	sand.u32 $0x1, s15  }
0x2d: {  	s24 =	sshll.u32 s18, $0x7;
	s19 =	sadd.s32 $0x2BC00, s14;
	s16 =	sld [smem:$0x0]  }
0x2e: {  	s23 =	sadd.s32 $0x2ED00, s14;
	s25 =	sshll.u32 s15, $0x6;
	[dreg:$0xe] =	wrdreg s17  }
0x2f: {  	s15 =	ssub.s32 $0x2, s15;
	_ =	strace $0x8000004A;
	[dreg:$0xf] =	wrdreg s19  }
0x30: {  	s17 =	sor.u32 s25, s24;
	s24 =	sadd.s32 $0x31E00, s14;
	[dreg:$0x1e] =	wrdreg s23  }
0x31: {  	s26 =	sshrl.u32 s15, $0x1;
	s25 =	sadd.s32 $0x34F00, s14;
	[dreg:$0x1f] =	wrdreg s24  }
0x32: {  	s15 =	ssub.s32 s15, s26;
	s26 =	sadd.s32 $0x38000, s14;
	[smem:$0x7FC] =	sst s25  }
0x33: {  	s0 =	sadd.s32 s0, s17;
	[smem:$0x7FD] =	sst s26  }
0x34: {  	s28 =	sadd.s32 $0x47500, s14;
	s1 =	sadd.s32 s1, s17;
	[dreg:$0x10] =	wrdreg s0  }
0x35: {  	s29 =	sadd.s32 $0x4A600, s14;
	s3 =	sadd.s32 s3, s17;
	[dreg:$0x11] =	wrdreg s1  }
0x36: {  	s30 =	sadd.s32 $0x4D700, s14;
	s4 =	sadd.s32 s4, s17;
	[dreg:$0x12] =	wrdreg s3  }
0x37: {  	s31 =	sadd.s32 $0x50800, s14;
	s5 =	sadd.s32 s5, s17;
	[dreg:$0x13] =	wrdreg s4  }
0x38: {  	s18 =	sadd.s32 s17, s14;
	s6 =	sadd.s32 s6, s17;
	[dreg:$0x14] =	wrdreg s5  }
0x39: {  	s7 =	sadd.s32 s7, s17;
	s8 =	sadd.s32 s8, s17;
	[dreg:$0x15] =	wrdreg s6  }
0x3a: {  	s9 =	sadd.s32 s9, s17;
	s10 =	sadd.s32 s10, s17;
	[dreg:$0x16] =	wrdreg s7  }
0x3b: {  	s19 =	sadd.s32 s11, s17;
	s20 =	sadd.s32 s12, s17;
	[dreg:$0x17] =	wrdreg s8  }
0x3c: {  	s21 =	sadd.s32 s13, s17;
	s23 =	sadd.s32 $0x3B100, s14;
	[dreg:$0x18] =	wrdreg s9  }
0x3d: {  	s24 =	sadd.s32 $0x3E200, s14;
	s25 =	sadd.s32 $0x41300, s14;
	[dreg:$0x19] =	wrdreg s10  }
0x3e: {  	s26 =	sadd.s32 $0x44400, s14;
	s11 =	simm.s32 $0x1400;
	[dreg:$0x1a] =	wrdreg s19  }
0x3f: {  	s12 =	simm.s32 $0x1600;
	s13 =	simm.s32 $0x1800;
	[dreg:$0x1b] =	wrdreg s20  }
0x40: {  	s14 =	simm.s32 $0x1;
	[dreg:$0x1c] =	wrdreg s21;
	s22 =	sadd.s32 $0x2B400, s18  }
0x41: {  	s1 =	smax.u32 s15, $0x1;
	s0 =	simm.s32 $0x200;
	s3 =	simm.s32 $0x400  }
0x42: {  	s4 =	simm.s32 $0x600;
	s5 =	simm.s32 $0x800;
	s6 =	simm.s32 $0xA00  }
0x43: {  	s7 =	simm.s32 $0xC00;
	s8 =	simm.s32 $0xE00;
	s9 =	simm.s32 $0x1000  }
0x44: {  	s10 =	simm.s32 $0x1200;
	s15 =	simm.s32 $0x2;
	[dreg:$0x1d] =	wrdreg s22  }
0x45: {  	s22 =	sadd.s32 s16, s17;
	s16 =	simm.s32 $0x3;
	s17 =	simm.s32 $0x0  }
.LBB3_1:
0x46: {  	s18 =	rddreg [dreg:$0x10]  }
0x47: {  	[tilespmem:s2], [sflag:$0x1] =	stream.linear.gather [hbm4b:s18+s2], $0x200, $0x38;
	[tilespmem:$0x3800] =	vst v63  }
0x48: {  	s21 =	rddreg [dreg:$0x11]  }
0x49: {  	[tilespmem:s0], [sflag:$0x1] =	stream.linear.gather [hbm4b:s21+s2], $0x200, $0x38;
	[tilespmem:$0x3800] =	vst v63  }
0x4a: {  	s19 =	rddreg [dreg:$0x12]  }
0x4b: {  	[tilespmem:s3], [sflag:$0x1] =	stream.linear.gather [hbm4b:s19+s2], $0x200, $0x38;
	[tilespmem:$0x3800] =	vst v63  }
0x4c: {  	s20 =	rddreg [dreg:$0x13]  }
0x4d: {  	[tilespmem:s4], [sflag:$0x1] =	stream.linear.gather [hbm4b:s20+s2], $0x200, $0x38;
	[tilespmem:$0x3800] =	vst v63  }
0x4e: {  	s21 =	rddreg [dreg:$0x14]  }
0x4f: {  	[tilespmem:s5], [sflag:$0x1] =	stream.linear.gather [hbm4b:s21+s2], $0x200, $0x38;
	[tilespmem:$0x3800] =	vst v63  }
0x50: {  	s19 =	rddreg [dreg:$0x15]  }
0x51: {  	[tilespmem:s6], [sflag:$0x1] =	stream.linear.gather [hbm4b:s19+s2], $0x200, $0x38;
	[tilespmem:$0x3800] =	vst v63  }
0x52: {  	s20 =	rddreg [dreg:$0x16]  }
0x53: {  	[tilespmem:s7], [sflag:$0x1] =	stream.linear.gather [hbm4b:s20+s2], $0x200, $0x38;
	[tilespmem:$0x3800] =	vst v63  }
0x54: {  	s21 =	rddreg [dreg:$0x17]  }
0x55: {  	[tilespmem:s8], [sflag:$0x1] =	stream.linear.gather [hbm4b:s21+s2], $0x200, $0x38;
	[tilespmem:$0x3800] =	vst v63  }
0x56: {  	s19 =	rddreg [dreg:$0x18]  }
0x57: {  	[tilespmem:s9], [sflag:$0x1] =	stream.linear.gather [hbm4b:s19+s2], $0x200, $0x38;
	[tilespmem:$0x3800] =	vst v63  }
0x58: {  	s20 =	rddreg [dreg:$0x19]  }
0x59: {  	[tilespmem:s10], [sflag:$0x1] =	stream.linear.gather [hbm4b:s20+s2], $0x200, $0x38;
	[tilespmem:$0x3800] =	vst v63  }
0x5a: {  	s21 =	rddreg [dreg:$0x1a]  }
0x5b: {  	[tilespmem:s11], [sflag:$0x1] =	stream.linear.gather [hbm4b:s21+s2], $0x200, $0x38;
	[tilespmem:$0x3800] =	vst v63  }
0x5c: {  	s19 =	rddreg [dreg:$0x1b]  }
0x5d: {  	[tilespmem:s12], [sflag:$0x1] =	stream.linear.gather [hbm4b:s19+s2], $0x200, $0x38;
	[tilespmem:$0x3800] =	vst v63  }
0x5e: {  	s20 =	rddreg [dreg:$0x1c]  }
0x5f: {  	[tilespmem:s13], [sflag:$0x1] =	stream.linear.gather [hbm4b:s20+s2], $0x200, $0x38;
	[tilespmem:$0x3800] =	vst v63  }
0x60: {  	s21 =	rddreg [dreg:$0x1d];
	s19 =	simm.s32 $0x3400  }
0x61: {  	[tilespmem:s19], [sflag:$0x1] =	stream.linear.gather [hbm4b:s21+s2], $0x200, $0x38;
	[tilespmem:$0x3800] =	vst v63  }
0x62: {  	_ =	swait.ge [sflag:s14], $0x200  }
0x63: {  	[sflag:s14] =	ssyncset.done $0x0  }
0x64: {  	[sflag:s14] =	ssyncadd.s32 $0xFFFFFE00  }
0x65: {  	_ =	swait.ge [sflag:s14], $0x200  }
0x66: {  	[sflag:s14] =	ssyncset.done $0x0  }
0x67: {  	[sflag:s14] =	ssyncadd.s32 $0xFFFFFE00  }
0x68: {  	_ =	swait.ge [sflag:s14], $0x200  }
0x69: {  	[sflag:s14] =	ssyncset.done $0x0  }
0x6a: {  	[sflag:s14] =	ssyncadd.s32 $0xFFFFFE00  }
0x6b: {  	_ =	swait.ge [sflag:s14], $0x200  }
0x6c: {  	[sflag:s14] =	ssyncset.done $0x0  }
0x6d: {  	[sflag:s14] =	ssyncadd.s32 $0xFFFFFE00  }
0x6e: {  	_ =	swait.ge [sflag:s14], $0x200  }
0x6f: {  	[sflag:s14] =	ssyncset.done $0x0  }
0x70: {  	[sflag:s14] =	ssyncadd.s32 $0xFFFFFE00  }
0x71: {  	_ =	swait.ge [sflag:s14], $0x200  }
0x72: {  	[sflag:s14] =	ssyncset.done $0x0  }
0x73: {  	[sflag:s14] =	ssyncadd.s32 $0xFFFFFE00  }
0x74: {  	_ =	swait.ge [sflag:s14], $0x200  }
0x75: {  	[sflag:s14] =	ssyncset.done $0x0  }
0x76: {  	[sflag:s14] =	ssyncadd.s32 $0xFFFFFE00  }
0x77: {  	_ =	swait.ge [sflag:s14], $0x200  }
0x78: {  	[sflag:s14] =	ssyncset.done $0x0  }
0x79: {  	[sflag:s14] =	ssyncadd.s32 $0xFFFFFE00  }
0x7a: {  	_ =	swait.ge [sflag:s14], $0x200  }
0x7b: {  	[sflag:s14] =	ssyncset.done $0x0  }
0x7c: {  	[sflag:s14] =	ssyncadd.s32 $0xFFFFFE00  }
0x7d: {  	_ =	swait.ge [sflag:s14], $0x200  }
0x7e: {  	[sflag:s14] =	ssyncset.done $0x0  }
0x7f: {  	[sflag:s14] =	ssyncadd.s32 $0xFFFFFE00  }
0x80: {  	_ =	swait.ge [sflag:s14], $0x200  }
0x81: {  	[sflag:s14] =	ssyncset.done $0x0  }
0x82: {  	[sflag:s14] =	ssyncadd.s32 $0xFFFFFE00  }
0x83: {  	_ =	swait.ge [sflag:s14], $0x200  }
0x84: {  	[sflag:s14] =	ssyncset.done $0x0  }
0x85: {  	[sflag:s14] =	ssyncadd.s32 $0xFFFFFE00  }
0x86: {  	_ =	swait.ge [sflag:s14], $0x200  }
0x87: {  	[sflag:s14] =	ssyncset.done $0x0  }
0x88: {  	[sflag:s14] =	ssyncadd.s32 $0xFFFFFE00  }
0x89: {  	_ =	swait.ge [sflag:s14], $0x200  }
0x8a: {  	[sflag:s14] =	ssyncset.done $0x0  }
0x8b: {  	s21 =	simm.s32 $0x1A00;
	s20 =	rddreg [dreg:$0xf];
	[sflag:s14] =	ssyncadd.s32 $0xFFFFFE00  }
0x8c: {  	[tilespmem:s21], [sflag:$0x2] =	stream.indirect.gather [hbm4b:s20+s0], $0x1, s2, s0, $0xb8;
	[tilespmem:$0x3800] =	vst v63  }
0x8d: {  	s20 =	rddreg [dreg:$0x1e];
	s21 =	simm.s32 $0x1C00  }
0x8e: {  	[tilespmem:s21], [sflag:$0x2] =	stream.indirect.gather [hbm4b:s20+s0], $0x1, s0, s0, $0xb8;
	[tilespmem:$0x3800] =	vst v63  }
0x8f: {  	s20 =	rddreg [dreg:$0x1f];
	s21 =	simm.s32 $0x1E00  }
0x90: {  	[tilespmem:s21], [sflag:$0x2] =	stream.indirect.gather [hbm4b:s20+s0], $0x1, s3, s0, $0xb8;
	[tilespmem:$0x3800] =	vst v63  }
0x91: {  	s20 =	sld [smem:$0x7FC];
	_ =	sdelay $0x1  }
0x92: {  	s21 =	simm.s32 $0x2000  }
0x93: {  	[tilespmem:s21], [sflag:$0x2] =	stream.indirect.gather [hbm4b:s20+s0], $0x1, s4, s0, $0xb8;
	[tilespmem:$0x3800] =	vst v63  }
0x94: {  	s20 =	sld [smem:$0x7FD];
	_ =	sdelay $0x1  }
0x95: {  	s21 =	simm.s32 $0x2200  }
0x96: {  	[tilespmem:s21], [sflag:$0x2] =	stream.indirect.gather [hbm4b:s20+s0], $0x1, s5, s0, $0xb8;
	[tilespmem:$0x3800] =	vst v63  }
0x97: {  	s20 =	simm.s32 $0x2400  }
0x98: {  	[tilespmem:s20], [sflag:$0x2] =	stream.indirect.gather [hbm4b:s23+s0], $0x1, s6, s0, $0xb8;
	[tilespmem:$0x3800] =	vst v63  }
0x99: {  	s21 =	simm.s32 $0x2600  }
0x9a: {  	[tilespmem:s21], [sflag:$0x2] =	stream.indirect.gather [hbm4b:s24+s0], $0x1, s7, s0, $0xb8;
	[tilespmem:$0x3800] =	vst v63  }
0x9b: {  	s19 =	simm.s32 $0x2800  }
0x9c: {  	[tilespmem:s19], [sflag:$0x2] =	stream.indirect.gather [hbm4b:s25+s0], $0x1, s8, s0, $0xb8;
	[tilespmem:$0x3800] =	vst v63  }
0x9d: {  	s20 =	simm.s32 $0x2A00  }
0x9e: {  	[tilespmem:s20], [sflag:$0x2] =	stream.indirect.gather [hbm4b:s26+s0], $0x1, s9, s0, $0xb8;
	[tilespmem:$0x3800] =	vst v63  }
0x9f: {  	s21 =	simm.s32 $0x2C00  }
0xa0: {  	[tilespmem:s21], [sflag:$0x2] =	stream.indirect.gather [hbm4b:s28+s0], $0x1, s10, s0, $0xb8;
	[tilespmem:$0x3800] =	vst v63  }
0xa1: {  	s19 =	simm.s32 $0x2E00  }
0xa2: {  	[tilespmem:s19], [sflag:$0x2] =	stream.indirect.gather [hbm4b:s29+s0], $0x1, s11, s0, $0xb8;
	[tilespmem:$0x3800] =	vst v63  }
0xa3: {  	s20 =	simm.s32 $0x3000  }
0xa4: {  	[tilespmem:s20], [sflag:$0x2] =	stream.indirect.gather [hbm4b:s30+s0], $0x1, s12, s0, $0xb8;
	[tilespmem:$0x3800] =	vst v63  }
0xa5: {  	s21 =	simm.s32 $0x3200  }
0xa6: {  	[tilespmem:s21], [sflag:$0x2] =	stream.indirect.gather [hbm4b:s31+s0], $0x1, s13, s0, $0xb8;
	[tilespmem:$0x3800] =	vst v63  }
0xa7: {  	_ =	swait.ge [sflag:s15], $0x200  }
0xa8: {  	[sflag:s15] =	ssyncset.done $0x0  }
0xa9: {  	[sflag:s15] =	ssyncadd.s32 $0xFFFFFE00  }
0xaa: {  	_ =	swait.ge [sflag:s15], $0x200  }
0xab: {  	[sflag:s15] =	ssyncset.done $0x0  }
0xac: {  	[sflag:s15] =	ssyncadd.s32 $0xFFFFFE00  }
0xad: {  	_ =	swait.ge [sflag:s15], $0x200  }
0xae: {  	[sflag:s15] =	ssyncset.done $0x0  }
0xaf: {  	[sflag:s15] =	ssyncadd.s32 $0xFFFFFE00  }
0xb0: {  	_ =	swait.ge [sflag:s15], $0x200  }
0xb1: {  	[sflag:s15] =	ssyncset.done $0x0  }
0xb2: {  	[sflag:s15] =	ssyncadd.s32 $0xFFFFFE00  }
0xb3: {  	_ =	swait.ge [sflag:s15], $0x200  }
0xb4: {  	[sflag:s15] =	ssyncset.done $0x0  }
0xb5: {  	[sflag:s15] =	ssyncadd.s32 $0xFFFFFE00  }
0xb6: {  	_ =	swait.ge [sflag:s15], $0x200  }
0xb7: {  	[sflag:s15] =	ssyncset.done $0x0  }
0xb8: {  	[sflag:s15] =	ssyncadd.s32 $0xFFFFFE00  }
0xb9: {  	_ =	swait.ge [sflag:s15], $0x200  }
0xba: {  	[sflag:s15] =	ssyncset.done $0x0  }
0xbb: {  	[sflag:s15] =	ssyncadd.s32 $0xFFFFFE00  }
0xbc: {  	_ =	swait.ge [sflag:s15], $0x200  }
0xbd: {  	[sflag:s15] =	ssyncset.done $0x0  }
0xbe: {  	[sflag:s15] =	ssyncadd.s32 $0xFFFFFE00  }
0xbf: {  	_ =	swait.ge [sflag:s15], $0x200  }
0xc0: {  	[sflag:s15] =	ssyncset.done $0x0  }
0xc1: {  	[sflag:s15] =	ssyncadd.s32 $0xFFFFFE00  }
0xc2: {  	_ =	swait.ge [sflag:s15], $0x200  }
0xc3: {  	[sflag:s15] =	ssyncset.done $0x0  }
0xc4: {  	[sflag:s15] =	ssyncadd.s32 $0xFFFFFE00  }
0xc5: {  	_ =	swait.ge [sflag:s15], $0x200  }
0xc6: {  	[sflag:s15] =	ssyncset.done $0x0  }
0xc7: {  	[sflag:s15] =	ssyncadd.s32 $0xFFFFFE00  }
0xc8: {  	_ =	swait.ge [sflag:s15], $0x200  }
0xc9: {  	[sflag:s15] =	ssyncset.done $0x0  }
0xca: {  	[sflag:s15] =	ssyncadd.s32 $0xFFFFFE00  }
0xcb: {  	_ =	swait.ge [sflag:s15], $0x200  }
0xcc: {  	[sflag:s15] =	ssyncset.done $0x0  }
0xcd: {  	s19 =	simm.s32 $0x0;
	[sflag:s15] =	ssyncadd.s32 $0xFFFFFE00  }
0xce: {  	v0 =	vld [tilespmem:s19+$0x1A00]  }
0xcf: {  	v1 =	vld [tilespmem:s19+$0x1C00];
	_ =	sdelay $0x1  }
0xd0: {  	v2 =	vld [tilespmem:s19+$0x1E00];
	_ =	sdelay $0x1  }
0xd1: {  	v3 =	vld [tilespmem:s19+$0x2000]  }
0xd2: {  	v0 =	vadd.f32 v1, v0  }
0xd3: {  	v1 =	vld [tilespmem:s19+$0x2200]  }
0xd4: {  	v0 =	vadd.f32 v2, v0  }
0xd5: {  	v2 =	vld [tilespmem:s19+$0x2400]  }
0xd6: {  	v0 =	vadd.f32 v3, v0  }
0xd7: {  	v3 =	vld [tilespmem:s19+$0x2600]  }
0xd8: {  	s18 =	simm.s32 $0x10;
	v4 =	vld [tilespmem:s19+$0x2800];
	v0 =	vadd.f32 v1, v0  }
0xd9: {  	v5 =	vld [tilespmem:s18+$0x1A00]  }
0xda: {  	v1 =	vld [tilespmem:s19+$0x2A00];
	v0 =	vadd.f32 v2, v0  }
0xdb: {  	v2 =	vld [tilespmem:s18+$0x1C00]  }
0xdc: {  	v6 =	vld [tilespmem:s18+$0x1E00];
	v0 =	vadd.f32 v3, v0  }
0xdd: {  	v3 =	vld [tilespmem:s19+$0x2C00]  }
0xde: {  	v7 =	vld [tilespmem:s18+$0x2000];
	v0 =	vadd.f32 v4, v0  }
0xdf: {  	v4 =	vld [tilespmem:s19+$0x2E00]  }
0xe0: {  	v2 =	vadd.f32 v2, v5;
	v5 =	vld [tilespmem:s18+$0x2200];
	v0 =	vadd.f32 v1, v0  }
0xe1: {  	v1 =	vld [tilespmem:s19+$0x3000]  }
0xe2: {  	v8 =	vld [tilespmem:s18+$0x2400];
	v2 =	vadd.f32 v6, v2;
	v0 =	vadd.f32 v3, v0  }
0xe3: {  	v6 =	vld [tilespmem:s19+$0x3200]  }
0xe4: {  	v3 =	vld [tilespmem:s18+$0x2600];
	v7 =	vadd.f32 v7, v2;
	v4 =	vadd.f32 v4, v0  }
0xe5: {  	v2 =	vld [tilespmem:s19+$0x3400]  }
0xe6: {  	v0 =	vld [tilespmem:s18+$0x2A00];
	v5 =	vadd.f32 v5, v7;
	v7 =	vadd.f32 v1, v4  }
0xe7: {  	s20 =	simm.s32 $0x20;
	v4 =	vld [tilespmem:s18+$0x2800]  }
0xe8: {  	s21 =	simm.s32 $0xC0;
	v1 =	vld [tilespmem:s20+$0x1A00];
	v5 =	vadd.f32 v8, v5;
	v6 =	vadd.f32 v6, v7  }
.LBB3_2:
0xe9: {  	p0 =	sne.s32 s21, $0x7C0;
	v7 =	vld [tilespmem:s20+$0x1C00]  }
0xea: {  	v3 =	vadd.f32 v3, v5;
	v5 =	vld [tilespmem:s18+$0x2C00];
	v2 =	vadd.f32 v2, v6  }
0xeb: {  	v6 =	vld [tilespmem:s20+$0x1E00]  }
0xec: {  	v3 =	vadd.f32 v4, v3;
	v4 =	vld [tilespmem:s18+$0x2E00];
	[tilespmem:s19+$0x3600] =	vst v2;
	s19 =	smov.u32 s18;
	s18 =	smov.u32 s20  }
0xed: {  	v2 =	vld [tilespmem:s18+$0x2000]  }
0xee: {  	v1 =	vadd.f32 v7, v1;
	v0 =	vadd.f32 v0, v3;
	v7 =	vld [tilespmem:s19+$0x3000]  }
0xef: {  	v8 =	vld [tilespmem:s18+$0x2200]  }
0xf0: {  	v1 =	vadd.f32 v6, v1;
	v0 =	vadd.f32 v5, v0;
	v6 =	vld [tilespmem:s19+$0x3200]  }
0xf1: {  	v5 =	vld [tilespmem:s18+$0x2400]  }
.Ltmp0:
0xf2: {  	v1 =	vadd.f32 v2, v1;
	v4 =	vadd.f32 v4, v0;
	v2 =	vld [tilespmem:s19+$0x3400];
	(pc) =	sbr.rel @p0 .LBB3_2-.Ltmp0, $4  }
0xf3: {  	v3 =	vld [tilespmem:s18+$0x2600]  }
0xf4: {  	v8 =	vadd.f32 v8, v1;
	v0 =	vld [tilespmem:s18+$0x2A00];
	v7 =	vadd.f32 v7, v4  }
0xf5: {  	s20 =	sshra.s32 s21, $0x2;
	v4 =	vld [tilespmem:s18+$0x2800]  }
0xf6: {  	s21 =	sadd.s32 $0x40, s21;
	v1 =	vld [tilespmem:s20+$0x1A00];
	v5 =	vadd.f32 v5, v8;
	v6 =	vadd.f32 v6, v7  }
0xf7: {  	v7 =	vld [tilespmem:s20+$0x1C00]  }
0xf8: {  	v8 =	vld [tilespmem:s18+$0x2C00];
	v2 =	vadd.f32 v2, v6  }
0xf9: {  	v49 =	vld [tilespmem:s20+$0x1E00]  }
0xfa: {  	v9 =	vld [tilespmem:s18+$0x2E00];
	v3 =	vadd.f32 v3, v5;
	[tilespmem:s19+$0x3600] =	vst v2  }
0xfb: {  	v2 =	vld [tilespmem:s20+$0x2000]  }
0xfc: {  	v3 =	vadd.f32 v4, v3;
	v1 =	vadd.f32 v7, v1  }
0xfd: {  	v50 =	vld [tilespmem:s20+$0x2200]  }
0xfe: {  	v51 =	vld [tilespmem:s18+$0x3000];
	v0 =	vadd.f32 v0, v3;
	v1 =	vadd.f32 v49, v1  }
0xff: {  	v52 =	vld [tilespmem:s20+$0x2400]  }
0x100: {  	v53 =	vld [tilespmem:s18+$0x3200];
	v0 =	vadd.f32 v8, v0;
	v1 =	vadd.f32 v2, v1  }
0x101: {  	v54 =	vld [tilespmem:s20+$0x2600]  }
0x102: {  	v55 =	vld [tilespmem:s18+$0x3400];
	v0 =	vadd.f32 v9, v0;
	v1 =	vadd.f32 v50, v1  }
0x103: {  	v56 =	vld [tilespmem:s20+$0x2800]  }
0x104: {  	v0 =	vadd.f32 v51, v0;
	v1 =	vadd.f32 v52, v1  }
0x105: {  	v57 =	vld [tilespmem:s20+$0x2A00]  }
0x106: {  	v0 =	vadd.f32 v53, v0;
	v1 =	vadd.f32 v54, v1  }
0x107: {  	v58 =	vld [tilespmem:s20+$0x2C00]  }
0x108: {  	v0 =	vadd.f32 v55, v0;
	v1 =	vadd.f32 v56, v1  }
0x109: {  	v59 =	vld [tilespmem:s20+$0x2E00]  }
0x10a: {  	[tilespmem:s18+$0x3600] =	vst v0;
	v60 =	vadd.f32 v57, v1  }
0x10b: {  	v61 =	vld [tilespmem:s20+$0x3000]  }
0x10c: {  	v0 =	vadd.f32 v58, v60  }
0x10d: {  	v62 =	vld [tilespmem:s20+$0x3200]  }
0x10e: {  	v0 =	vadd.f32 v59, v0  }
0x10f: {  	v63 =	vld [tilespmem:s20+$0x3400]  }
0x110: {  	v0 =	vadd.f32 v61, v0;
	_ =	sdelay $0x1  }
0x111: {  	v0 =	vadd.f32 v62, v0;
	_ =	sdelay $0x1  }
0x112: {  	s17 =	sadd.s32 $0x1, s17;
	v0 =	vadd.f32 v63, v0  }
0x113: {  	p0 =	sne.s32 s17, s1  }
.Ltmp1:
0x114: {  	s21 =	simm.s32 $0x3600;
	[tilespmem:s20+$0x3600] =	vst v0;
	(pc) =	sbr.rel @p0 .LBB3_1-.Ltmp1, $4  }
0x115: {  	[hbm4b:s22+s2] =	stream.linear.scatter [tilespmem:s21], [sflag:$0x3], $0x200, $0x38;
	[tilespmem:$0x3800] =	vst v63  }
0x116: {  	_ =	swait.ge [sflag:s16], $0x200  }
0x117: {  	[sflag:s16] =	ssyncset.done $0x0  }
0x118: {  	[sflag:s16] =	ssyncadd.s32 $0xFFFFFE00  }
0x119: {  	_ =	sfence.sel $0x180000  }
0x11a: {  	[bflag:$0x0] =	sbarrier.arrive $0xFFFF  }
0x11b: {  	_ =	strace $0x9000004A  }
0x11c: {  	s0 =	stileid.u32;
	[bflag:$0x2] =	sbarrier.arrive $0xFFFF  }
0x11d: {  	p0 =	sne.s32 s0, $0x0;
	s0 =	rddreg [dreg:$0xe]  }
0x11e: {  	s0 =	sadd.s32 @!p0 $0x100000, s0  }
0x11f: {  	[sflag:s0] =	ssyncadd.tile.s32 @!p0 $0x1;
	_ =	shalt  }
.Lfunc_end3:
_tile_overlayer_lowered:
.L_overlay_start_3:
0x120: {  	(tag) =	ssettag $0x3  }
0x121: {  	s0 =	rddreg [dreg:$0x0];
	s2 =	stileid.u32  }
0x122: {  	s1 =	rddreg [dreg:$0x1];
	p0 =	sne.s32 s2, $0x0  }
0x123: {  	s3 =	rddreg [dreg:$0x2];
	[bflag:$0x3] =	sbarrier.arrive $0xFFFF;
	s2 =	simm.s32 @!p0 $0x1C03  }
0x124: {  	[timem:s3], [sflag:s2] =	dma.local @!p0 [hbm:s0], s1  }
0x125: {  	s0 =	simm.s32 @!p0 $0x3  }
0x126: {  	_ =	swait.ge @!p0 [sflag:s0], s1  }
0x127: {  	s1 =	ssub.s32 @!p0 $0x0, s1;
	[sflag:s0] =	ssyncset.done @!p0 $0x0  }
0x128: {  	[sflag:s0] =	ssyncadd.s32 @!p0 s1  }
0x129: {  	[bflag:$0x3] =	sbarrier.arrive $0xFFFF  }
0x12a: {  	_ =	shalt  }

</sc_bundles>
